<compile_context>
chip_gen: v7x
topology: tpu7x:2x2x1
jax: 0.10.2.dev20260603
libtpu: 0.0.44.dev20260713+nightly
codegen_flags: <defaults>
</compile_context>

<pallas_src>
import functools

import jax
import jax.numpy as jnp
from jax import lax
from jax.experimental import pallas as pl
from jax.experimental.pallas import tpu as pltpu
from jax.experimental.pallas import tpu_sc as plsc

_F = 128
_K = 65536
_NC = 2
_NS = 16
_NW = _NC * _NS
_CPW = _K // _NW
_C = 128
_NCHUNK = _CPW // _C

_mesh = plsc.VectorSubcoreMesh(core_axis_name="c", subcore_axis_name="s")


@functools.partial(
    pl.kernel,
    out_type=jax.ShapeDtypeStruct((_K, _F), jnp.float32),
    mesh=_mesh,
    scratch_types=[
        pltpu.VMEM((_F, _C), jnp.float32),
        pltpu.VMEM((_F, _C), jnp.float32),
        pltpu.VMEM((_C, _F), jnp.float32),
        pltpu.VMEM((_C, _F), jnp.float32),
        pltpu.SemaphoreType.DMA,
        pltpu.SemaphoreType.DMA,
        pltpu.SemaphoreType.DMA,
        pltpu.SemaphoreType.DMA,
    ],
    compiler_params=pltpu.CompilerParams(needs_layout_passes=False),
)
def _sc_transpose(q_hbm, out_hbm, in_a, in_b, out_a, out_b,
                  sem_ia, sem_ib, sem_oa, sem_ob):
    wid = lax.axis_index("s") * _NC + lax.axis_index("c")
    col0 = wid * _CPW
    iota = lax.iota(jnp.int32, 16)
    frows = [f0 + 4 * iota + a for f0 in range(0, _F, 64) for a in range(4)]

    def _in_slice(ch):
        return q_hbm.at[:, pl.ds(col0 + ch * _C, _C)]

    def _out_slice(ch):
        return out_hbm.at[pl.ds(col0 + ch * _C, _C), :]

    def _permute(in_v, out_v):
        for fb in range(_F // 64):

            @plsc.parallel_loop(0, _C, unroll=2)
            def _block(t):
                kb = t // 64
                db = t - kb * 64
                d = db // 4
                b = db - d * 4
                kcols = 4 * jnp.bitwise_and(iota + d, 15) + (kb * 64 + b)
                for a in range(4):
                    fr = frows[4 * fb + a]
                    v = plsc.load_gather(in_v, [fr, kcols])
                    plsc.store_scatter(out_v, [kcols, fr], v)

    def _half(ch, in_v, out_v, sem_i, sem_o):
        pltpu.make_async_copy(_in_slice(ch), in_v, sem_i).wait()

        @pl.when(ch > 1)
        def _():
            pltpu.make_async_copy(out_v, _out_slice(ch), sem_o).wait()

        _permute(in_v, out_v)
        pltpu.async_copy(out_v, _out_slice(ch), sem_o)

        @pl.when(ch + 2 < _NCHUNK)
        def _():
            pltpu.async_copy(_in_slice(ch + 2), in_v, sem_i)

    pltpu.async_copy(_in_slice(0), in_a, sem_ia)
    pltpu.async_copy(_in_slice(1), in_b, sem_ib)

    def _pair(p, carry):
        _half(2 * p, in_a, out_a, sem_ia, sem_oa)
        _half(2 * p + 1, in_b, out_b, sem_ib, sem_ob)
        return carry

    lax.fori_loop(0, _NCHUNK // 2, _pair, 0)
    pltpu.make_async_copy(out_a, _out_slice(_NCHUNK - 2), sem_oa).wait()
    pltpu.make_async_copy(out_b, _out_slice(_NCHUNK - 1), sem_ob).wait()


def kernel(queue):
    return _sc_transpose(queue)

# --- scband reference (transcript-rebuilt; emitter-appended) ---
"""Pipeline reference for scband-queue-70531952935527 (READ-ONLY COPY).

The authoritative reference and input builder live on the scoring server;
editing this copy changes nothing except your own understanding.
"""

import jax, jax.numpy as jnp
import numpy as np

FEATURE_DIM = 128
K = 65536

def setup_inputs(seed: int = 0) -> dict:
    key = jax.random.key(seed)
    # Buffer initialized exactly as in __init__: randn then L2-normalize along dim 0
    queue = jax.random.normal(key, (FEATURE_DIM, K), dtype=jnp.float32)
    queue = queue / jnp.clip(jnp.linalg.norm(queue, ord=2, axis=0, keepdims=True), 1e-12)
    return {"queue": queue}

def reference(queue):
    # Faithful translation of forward(): return self.queue.T
    return queue.T

if __name__ == "__main__":
    import jax
    _d = setup_inputs()
    print(jax.jit(kernel)(*tuple(_d.values())))

</pallas_src>

<mosaic_0001>
#map = affine_map<(d0, d1) -> (0, 0)>
module attributes {stable_mosaic.version = 14 : i64} {
  func.func @_sc_transpose(%arg0: i32, %arg1: i32, %arg2: memref<128x65536xf32, #tpu.memory_space<hbm>>, %arg3: memref<65536x128xf32, #tpu.memory_space<hbm>>, %arg4: memref<128x128xf32, #tpu.memory_space<vmem>>, %arg5: memref<128x128xf32, #tpu.memory_space<vmem>>, %arg6: memref<128x128xf32, #tpu.memory_space<vmem>>, %arg7: memref<128x128xf32, #tpu.memory_space<vmem>>, %arg8: memref<!tpu.dma_semaphore, #tpu.memory_space<semaphore_mem>>, %arg9: memref<!tpu.dma_semaphore, #tpu.memory_space<semaphore_mem>>, %arg10: memref<!tpu.dma_semaphore, #tpu.memory_space<semaphore_mem>>, %arg11: memref<!tpu.dma_semaphore, #tpu.memory_space<semaphore_mem>>) attributes {dimension_semantics = [#tpu.dimension_semantics<core_parallel>, #tpu.dimension_semantics<subcore_parallel>], iteration_bounds = array<i64: 2, 16>, scalar_prefetch = 0 : i64, scratch_operands = 8 : i64, tpu.core_type = #tpu.core_type<sc_vector_subcore>, window_params = [{transform_indices = #map}, {transform_indices = #map}]} {
    %mul3A = arith.constant 2 : i32
    %mul3A_0 = arith.muli %arg1, %mul3A : i32
    %add3A = arith.addi %mul3A_0, %arg0 : i32
    %mul3A_1 = arith.constant 2048 : i32
    %mul3A_2 = arith.muli %add3A, %mul3A_1 : i32
    %iota3A = tpu.iota {dimensions = array<i32: 0>} : vector<16xi32>
    %mul3A_3 = arith.constant 4 : i32
    %mul3A_4 = vector.broadcast %mul3A_3 : i32 to vector<16xi32>
    %mul3A_5 = arith.muli %mul3A_4, %iota3A : vector<16xi32>
    %add3A_6 = arith.constant 0 : i32
    %add3A_7 = vector.broadcast %add3A_6 : i32 to vector<16xi32>
    %add3A_8 = arith.addi %add3A_7, %mul3A_5 : vector<16xi32>
    %add3A_9 = arith.constant 0 : i32
    %add3A_10 = vector.broadcast %add3A_9 : i32 to vector<16xi32>
    %add3A_11 = arith.addi %add3A_8, %add3A_10 : vector<16xi32>
    %mul3A_12 = arith.constant 4 : i32
    %mul3A_13 = vector.broadcast %mul3A_12 : i32 to vector<16xi32>
    %mul3A_14 = arith.muli %mul3A_13, %iota3A : vector<16xi32>
    %add3A_15 = arith.constant 0 : i32
    %add3A_16 = vector.broadcast %add3A_15 : i32 to vector<16xi32>
    %add3A_17 = arith.addi %add3A_16, %mul3A_14 : vector<16xi32>
    %add3A_18 = arith.constant 1 : i32
    %add3A_19 = vector.broadcast %add3A_18 : i32 to vector<16xi32>
    %add3A_20 = arith.addi %add3A_17, %add3A_19 : vector<16xi32>
    %mul3A_21 = arith.constant 4 : i32
    %mul3A_22 = vector.broadcast %mul3A_21 : i32 to vector<16xi32>
    %mul3A_23 = arith.muli %mul3A_22, %iota3A : vector<16xi32>
    %add3A_24 = arith.constant 0 : i32
    %add3A_25 = vector.broadcast %add3A_24 : i32 to vector<16xi32>
    %add3A_26 = arith.addi %add3A_25, %mul3A_23 : vector<16xi32>
    %add3A_27 = arith.constant 2 : i32
    %add3A_28 = vector.broadcast %add3A_27 : i32 to vector<16xi32>
    %add3A_29 = arith.addi %add3A_26, %add3A_28 : vector<16xi32>
    %mul3A_30 = arith.constant 4 : i32
    %mul3A_31 = vector.broadcast %mul3A_30 : i32 to vector<16xi32>
    %mul3A_32 = arith.muli %mul3A_31, %iota3A : vector<16xi32>
    %add3A_33 = arith.constant 0 : i32
    %add3A_34 = vector.broadcast %add3A_33 : i32 to vector<16xi32>
    %add3A_35 = arith.addi %add3A_34, %mul3A_32 : vector<16xi32>
    %add3A_36 = arith.constant 3 : i32
    %add3A_37 = vector.broadcast %add3A_36 : i32 to vector<16xi32>
    %add3A_38 = arith.addi %add3A_35, %add3A_37 : vector<16xi32>
    %mul3A_39 = arith.constant 4 : i32
    %mul3A_40 = vector.broadcast %mul3A_39 : i32 to vector<16xi32>
    %mul3A_41 = arith.muli %mul3A_40, %iota3A : vector<16xi32>
    %add3A_42 = arith.constant 64 : i32
    %add3A_43 = vector.broadcast %add3A_42 : i32 to vector<16xi32>
    %add3A_44 = arith.addi %add3A_43, %mul3A_41 : vector<16xi32>
    %add3A_45 = arith.constant 0 : i32
    %add3A_46 = vector.broadcast %add3A_45 : i32 to vector<16xi32>
    %add3A_47 = arith.addi %add3A_44, %add3A_46 : vector<16xi32>
    %mul3A_48 = arith.constant 4 : i32
    %mul3A_49 = vector.broadcast %mul3A_48 : i32 to vector<16xi32>
    %mul3A_50 = arith.muli %mul3A_49, %iota3A : vector<16xi32>
    %add3A_51 = arith.constant 64 : i32
    %add3A_52 = vector.broadcast %add3A_51 : i32 to vector<16xi32>
    %add3A_53 = arith.addi %add3A_52, %mul3A_50 : vector<16xi32>
    %add3A_54 = arith.constant 1 : i32
    %add3A_55 = vector.broadcast %add3A_54 : i32 to vector<16xi32>
    %add3A_56 = arith.addi %add3A_53, %add3A_55 : vector<16xi32>
    %mul3A_57 = arith.constant 4 : i32
    %mul3A_58 = vector.broadcast %mul3A_57 : i32 to vector<16xi32>
    %mul3A_59 = arith.muli %mul3A_58, %iota3A : vector<16xi32>
    %add3A_60 = arith.constant 64 : i32
    %add3A_61 = vector.broadcast %add3A_60 : i32 to vector<16xi32>
    %add3A_62 = arith.addi %add3A_61, %mul3A_59 : vector<16xi32>
    %add3A_63 = arith.constant 2 : i32
    %add3A_64 = vector.broadcast %add3A_63 : i32 to vector<16xi32>
    %add3A_65 = arith.addi %add3A_62, %add3A_64 : vector<16xi32>
    %mul3A_66 = arith.constant 4 : i32
    %mul3A_67 = vector.broadcast %mul3A_66 : i32 to vector<16xi32>
    %mul3A_68 = arith.muli %mul3A_67, %iota3A : vector<16xi32>
    %add3A_69 = arith.constant 64 : i32
    %add3A_70 = vector.broadcast %add3A_69 : i32 to vector<16xi32>
    %add3A_71 = arith.addi %add3A_70, %mul3A_68 : vector<16xi32>
    %add3A_72 = arith.constant 3 : i32
    %add3A_73 = vector.broadcast %add3A_72 : i32 to vector<16xi32>
    %add3A_74 = arith.addi %add3A_71, %add3A_73 : vector<16xi32>
    %add3A_75 = arith.constant 0 : i32
    %add3A_76 = arith.addi %mul3A_2, %add3A_75 : i32
    %dma_start3A = arith.constant 0 : i32
    %dma_start3A_77 = tpu.memref_slice %arg2[%dma_start3A, %add3A_76] : memref<128x65536xf32, #tpu.memory_space<hbm>> -> memref<128x128xf32, #tpu.memory_space<hbm>>
    %dma_start3A_78 = arith.constant 0 : i32
    %dma_start3A_79 = tpu.memref_slice %arg2[%dma_start3A_78, %add3A_76] : memref<128x65536xf32, #tpu.memory_space<hbm>> -> memref<128x128xf32, #tpu.memory_space<hbm>>
    tpu.enqueue_dma source(%dma_start3A_79 : memref<128x128xf32, #tpu.memory_space<hbm>>) target(%arg4 : memref<128x128xf32, #tpu.memory_space<vmem>>) target_semaphore(%arg8 : memref<!tpu.dma_semaphore, #tpu.memory_space<semaphore_mem>>)
    %add3A_80 = arith.constant 128 : i32
    %add3A_81 = arith.addi %mul3A_2, %add3A_80 : i32
    %dma_start3A_82 = arith.constant 0 : i32
    %dma_start3A_83 = tpu.memref_slice %arg2[%dma_start3A_82, %add3A_81] : memref<128x65536xf32, #tpu.memory_space<hbm>> -> memref<128x128xf32, #tpu.memory_space<hbm>>
    %dma_start3A_84 = arith.constant 0 : i32
    %dma_start3A_85 = tpu.memref_slice %arg2[%dma_start3A_84, %add3A_81] : memref<128x65536xf32, #tpu.memory_space<hbm>> -> memref<128x128xf32, #tpu.memory_space<hbm>>
    tpu.enqueue_dma source(%dma_start3A_85 : memref<128x128xf32, #tpu.memory_space<hbm>>) target(%arg5 : memref<128x128xf32, #tpu.memory_space<vmem>>) target_semaphore(%arg9 : memref<!tpu.dma_semaphore, #tpu.memory_space<semaphore_mem>>)
    %scan3A = arith.constant 0 : i32
    %scan3A_86 = arith.constant 0 : i32
    %scan3A_87 = arith.constant 8 : i32
    %scan3A_88 = arith.addi %scan3A_86, %scan3A_87 : i32
    %scan3A_89 = arith.constant 1 : i32
    scf.for %scan3A_102 = %scan3A_86 to %scan3A_88 step %scan3A_89  : i32 {
      %mul3A_103 = arith.constant 2 : i32
      %mul3A_104 = arith.muli %mul3A_103, %scan3A_102 : i32
      %mul3A_105 = arith.constant 128 : i32
      %mul3A_106 = arith.muli %mul3A_104, %mul3A_105 : i32
      %add3A_107 = arith.addi %mul3A_2, %mul3A_106 : i32
      %dma_wait3A_108 = arith.constant 0 : i32
      %dma_wait3A_109 = tpu.memref_slice %arg2[%dma_wait3A_108, %add3A_107] : memref<128x65536xf32, #tpu.memory_space<hbm>> -> memref<128x128xf32, #tpu.memory_space<hbm>>
      %dma_wait3A_110 = arith.constant 0 : i32
      %dma_wait3A_111 = tpu.memref_slice %arg2[%dma_wait3A_110, %add3A_107] : memref<128x65536xf32, #tpu.memory_space<hbm>> -> memref<128x128xf32, #tpu.memory_space<hbm>>
      tpu.wait_dma2 semaphore(%arg8 : memref<!tpu.dma_semaphore, #tpu.memory_space<semaphore_mem>>) src(%dma_wait3A_111 : memref<128x128xf32, #tpu.memory_space<hbm>>) dst(%arg4 : memref<128x128xf32, #tpu.memory_space<vmem>>)
      %gt3A = arith.constant 1 : i32
      %gt3A_112 = arith.cmpi sgt, %mul3A_104, %gt3A : i32
      %convert_element_type3A = arith.extui %gt3A_112 : i1 to i32
      %cond3A = arith.constant 0 : i32
      %cond3A_113 = arith.cmpi ne, %convert_element_type3A, %cond3A : i32
      scf.if %cond3A_113 {
        %mul3A_168 = arith.constant 128 : i32
        %mul3A_169 = arith.muli %mul3A_104, %mul3A_168 : i32
        %add3A_170 = arith.addi %mul3A_2, %mul3A_169 : i32
        %dma_wait3A_171 = arith.constant 0 : i32
        %dma_wait3A_172 = tpu.memref_slice %arg3[%add3A_170, %dma_wait3A_171] : memref<65536x128xf32, #tpu.memory_space<hbm>> -> memref<128x128xf32, #tpu.memory_space<hbm>>
        %dma_wait3A_173 = arith.constant 0 : i32
        %dma_wait3A_174 = tpu.memref_slice %arg3[%add3A_170, %dma_wait3A_173] : memref<65536x128xf32, #tpu.memory_space<hbm>> -> memref<128x128xf32, #tpu.memory_space<hbm>>
        tpu.wait_dma2 semaphore(%arg10 : memref<!tpu.dma_semaphore, #tpu.memory_space<semaphore_mem>>) src(%arg6 : memref<128x128xf32, #tpu.memory_space<vmem>>) dst(%dma_wait3A_174 : memref<128x128xf32, #tpu.memory_space<hbm>>)
      } else {
      }
      %parallel_loop3A = arith.constant 0 : i32
      %parallel_loop3A_114 = arith.constant 128 : i32
      %parallel_loop3A_115 = arith.constant 1 : i32
      scf.for %parallel_loop3A_168 = %parallel_loop3A to %parallel_loop3A_114 step %parallel_loop3A_115  : i32 {
        %parallel_loop3A_169 = arith.constant 64 : i32
        %parallel_loop3A_170 = arith.divsi %parallel_loop3A_168, %parallel_loop3A_169 : i32
        %parallel_loop3A_171 = arith.constant 0 : i32
        %parallel_loop3A_172 = arith.cmpi sgt, %parallel_loop3A_168, %parallel_loop3A_171 : i32
        %parallel_loop3A_173 = arith.extui %parallel_loop3A_172 : i1 to i32
        %parallel_loop3A_174 = arith.constant 0 : i32
        %parallel_loop3A_175 = arith.cmpi slt, %parallel_loop3A_168, %parallel_loop3A_174 : i32
        %parallel_loop3A_176 = arith.extui %parallel_loop3A_175 : i1 to i32
        %parallel_loop3A_177 = arith.subi %parallel_loop3A_173, %parallel_loop3A_176 : i32
        %parallel_loop3A_178 = arith.constant 0 : i32
        %parallel_loop3A_179 = arith.cmpi sgt, %parallel_loop3A_169, %parallel_loop3A_178 : i32
        %parallel_loop3A_180 = arith.extui %parallel_loop3A_179 : i1 to i32
        %parallel_loop3A_181 = arith.constant 0 : i32
        %parallel_loop3A_182 = arith.cmpi slt, %parallel_loop3A_169, %parallel_loop3A_181 : i32
        %parallel_loop3A_183 = arith.extui %parallel_loop3A_182 : i1 to i32
        %parallel_loop3A_184 = arith.subi %parallel_loop3A_180, %parallel_loop3A_183 : i32
        %parallel_loop3A_185 = arith.cmpi ne, %parallel_loop3A_177, %parallel_loop3A_184 : i32
        %parallel_loop3A_186 = arith.remsi %parallel_loop3A_168, %parallel_loop3A_169 : i32
        %parallel_loop3A_187 = arith.constant 0 : i32
        %parallel_loop3A_188 = arith.cmpi ne, %parallel_loop3A_186, %parallel_loop3A_187 : i32
        %parallel_loop3A_189 = arith.andi %parallel_loop3A_185, %parallel_loop3A_188 : i1
        %parallel_loop3A_190 = arith.constant 1 : i32
        %parallel_loop3A_191 = arith.subi %parallel_loop3A_170, %parallel_loop3A_190 : i32
        %parallel_loop3A_192 = arith.select %parallel_loop3A_189, %parallel_loop3A_191, %parallel_loop3A_170 : i32
        %parallel_loop3A_193 = arith.constant 64 : i32
        %parallel_loop3A_194 = arith.muli %parallel_loop3A_192, %parallel_loop3A_193 : i32
        %parallel_loop3A_195 = arith.subi %parallel_loop3A_168, %parallel_loop3A_194 : i32
        %parallel_loop3A_196 = arith.constant 4 : i32
        %parallel_loop3A_197 = arith.divsi %parallel_loop3A_195, %parallel_loop3A_196 : i32
        %parallel_loop3A_198 = arith.constant 0 : i32
        %parallel_loop3A_199 = arith.cmpi sgt, %parallel_loop3A_195, %parallel_loop3A_198 : i32
        %parallel_loop3A_200 = arith.extui %parallel_loop3A_199 : i1 to i32
        %parallel_loop3A_201 = arith.constant 0 : i32
        %parallel_loop3A_202 = arith.cmpi slt, %parallel_loop3A_195, %parallel_loop3A_201 : i32
        %parallel_loop3A_203 = arith.extui %parallel_loop3A_202 : i1 to i32
        %parallel_loop3A_204 = arith.subi %parallel_loop3A_200, %parallel_loop3A_203 : i32
        %parallel_loop3A_205 = arith.constant 0 : i32
        %parallel_loop3A_206 = arith.cmpi sgt, %parallel_loop3A_196, %parallel_loop3A_205 : i32
        %parallel_loop3A_207 = arith.extui %parallel_loop3A_206 : i1 to i32
        %parallel_loop3A_208 = arith.constant 0 : i32
        %parallel_loop3A_209 = arith.cmpi slt, %parallel_loop3A_196, %parallel_loop3A_208 : i32
        %parallel_loop3A_210 = arith.extui %parallel_loop3A_209 : i1 to i32
        %parallel_loop3A_211 = arith.subi %parallel_loop3A_207, %parallel_loop3A_210 : i32
        %parallel_loop3A_212 = arith.cmpi ne, %parallel_loop3A_204, %parallel_loop3A_211 : i32
        %parallel_loop3A_213 = arith.remsi %parallel_loop3A_195, %parallel_loop3A_196 : i32
        %parallel_loop3A_214 = arith.constant 0 : i32
        %parallel_loop3A_215 = arith.cmpi ne, %parallel_loop3A_213, %parallel_loop3A_214 : i32
        %parallel_loop3A_216 = arith.andi %parallel_loop3A_212, %parallel_loop3A_215 : i1
        %parallel_loop3A_217 = arith.constant 1 : i32
        %parallel_loop3A_218 = arith.subi %parallel_loop3A_197, %parallel_loop3A_217 : i32
        %parallel_loop3A_219 = arith.select %parallel_loop3A_216, %parallel_loop3A_218, %parallel_loop3A_197 : i32
        %parallel_loop3A_220 = arith.constant 4 : i32
        %parallel_loop3A_221 = arith.muli %parallel_loop3A_219, %parallel_loop3A_220 : i32
        %parallel_loop3A_222 = arith.subi %parallel_loop3A_195, %parallel_loop3A_221 : i32
        %parallel_loop3A_223 = vector.broadcast %parallel_loop3A_219 : i32 to vector<16xi32>
        %parallel_loop3A_224 = arith.addi %iota3A, %parallel_loop3A_223 : vector<16xi32>
        %parallel_loop3A_225 = arith.constant 15 : i32
        %parallel_loop3A_226 = vector.broadcast %parallel_loop3A_225 : i32 to vector<16xi32>
        %parallel_loop3A_227 = arith.andi %parallel_loop3A_224, %parallel_loop3A_226 : vector<16xi32>
        %parallel_loop3A_228 = arith.constant 4 : i32
        %parallel_loop3A_229 = vector.broadcast %parallel_loop3A_228 : i32 to vector<16xi32>
        %parallel_loop3A_230 = arith.muli %parallel_loop3A_229, %parallel_loop3A_227 : vector<16xi32>
        %parallel_loop3A_231 = arith.constant 64 : i32
        %parallel_loop3A_232 = arith.muli %parallel_loop3A_192, %parallel_loop3A_231 : i32
        %parallel_loop3A_233 = arith.addi %parallel_loop3A_232, %parallel_loop3A_222 : i32
        %parallel_loop3A_234 = vector.broadcast %parallel_loop3A_233 : i32 to vector<16xi32>
        %parallel_loop3A_235 = arith.addi %parallel_loop3A_230, %parallel_loop3A_234 : vector<16xi32>
        %parallel_loop3A_236 = tpu.vector_load_idx %arg4[%add3A_11, %parallel_loop3A_235] : memref<128x128xf32, #tpu.memory_space<vmem>>[vector<16xi32>, vector<16xi32>], vector<16xf32>,
        tpu.vector_store_idx %arg6[%parallel_loop3A_235, %add3A_11], %parallel_loop3A_236 : memref<128x128xf32, #tpu.memory_space<vmem>>[vector<16xi32>, vector<16xi32>], vector<16xf32>,
        %parallel_loop3A_237 = tpu.vector_load_idx %arg4[%add3A_20, %parallel_loop3A_235] : memref<128x128xf32, #tpu.memory_space<vmem>>[vector<16xi32>, vector<16xi32>], vector<16xf32>,
        tpu.vector_store_idx %arg6[%parallel_loop3A_235, %add3A_20], %parallel_loop3A_237 : memref<128x128xf32, #tpu.memory_space<vmem>>[vector<16xi32>, vector<16xi32>], vector<16xf32>,
        %parallel_loop3A_238 = tpu.vector_load_idx %arg4[%add3A_29, %parallel_loop3A_235] : memref<128x128xf32, #tpu.memory_space<vmem>>[vector<16xi32>, vector<16xi32>], vector<16xf32>,
        tpu.vector_store_idx %arg6[%parallel_loop3A_235, %add3A_29], %parallel_loop3A_238 : memref<128x128xf32, #tpu.memory_space<vmem>>[vector<16xi32>, vector<16xi32>], vector<16xf32>,
        %parallel_loop3A_239 = tpu.vector_load_idx %arg4[%add3A_38, %parallel_loop3A_235] : memref<128x128xf32, #tpu.memory_space<vmem>>[vector<16xi32>, vector<16xi32>], vector<16xf32>,
        tpu.vector_store_idx %arg6[%parallel_loop3A_235, %add3A_38], %parallel_loop3A_239 : memref<128x128xf32, #tpu.memory_space<vmem>>[vector<16xi32>, vector<16xi32>], vector<16xf32>,
      } {sc.loop_unroll_factor = 2 : i64, sc.parallel_access}
      %parallel_loop3A_116 = arith.constant 0 : i32
      %parallel_loop3A_117 = arith.constant 128 : i32
      %parallel_loop3A_118 = arith.constant 1 : i32
      scf.for %parallel_loop3A_168 = %parallel_loop3A_116 to %parallel_loop3A_117 step %parallel_loop3A_118  : i32 {
        %parallel_loop3A_169 = arith.constant 64 : i32
        %parallel_loop3A_170 = arith.divsi %parallel_loop3A_168, %parallel_loop3A_169 : i32
        %parallel_loop3A_171 = arith.constant 0 : i32
        %parallel_loop3A_172 = arith.cmpi sgt, %parallel_loop3A_168, %parallel_loop3A_171 : i32
        %parallel_loop3A_173 = arith.extui %parallel_loop3A_172 : i1 to i32
        %parallel_loop3A_174 = arith.constant 0 : i32
        %parallel_loop3A_175 = arith.cmpi slt, %parallel_loop3A_168, %parallel_loop3A_174 : i32
        %parallel_loop3A_176 = arith.extui %parallel_loop3A_175 : i1 to i32
        %parallel_loop3A_177 = arith.subi %parallel_loop3A_173, %parallel_loop3A_176 : i32
        %parallel_loop3A_178 = arith.constant 0 : i32
        %parallel_loop3A_179 = arith.cmpi sgt, %parallel_loop3A_169, %parallel_loop3A_178 : i32
        %parallel_loop3A_180 = arith.extui %parallel_loop3A_179 : i1 to i32
        %parallel_loop3A_181 = arith.constant 0 : i32
        %parallel_loop3A_182 = arith.cmpi slt, %parallel_loop3A_169, %parallel_loop3A_181 : i32
        %parallel_loop3A_183 = arith.extui %parallel_loop3A_182 : i1 to i32
        %parallel_loop3A_184 = arith.subi %parallel_loop3A_180, %parallel_loop3A_183 : i32
        %parallel_loop3A_185 = arith.cmpi ne, %parallel_loop3A_177, %parallel_loop3A_184 : i32
        %parallel_loop3A_186 = arith.remsi %parallel_loop3A_168, %parallel_loop3A_169 : i32
        %parallel_loop3A_187 = arith.constant 0 : i32
        %parallel_loop3A_188 = arith.cmpi ne, %parallel_loop3A_186, %parallel_loop3A_187 : i32
        %parallel_loop3A_189 = arith.andi %parallel_loop3A_185, %parallel_loop3A_188 : i1
        %parallel_loop3A_190 = arith.constant 1 : i32
        %parallel_loop3A_191 = arith.subi %parallel_loop3A_170, %parallel_loop3A_190 : i32
        %parallel_loop3A_192 = arith.select %parallel_loop3A_189, %parallel_loop3A_191, %parallel_loop3A_170 : i32
        %parallel_loop3A_193 = arith.constant 64 : i32
        %parallel_loop3A_194 = arith.muli %parallel_loop3A_192, %parallel_loop3A_193 : i32
        %parallel_loop3A_195 = arith.subi %parallel_loop3A_168, %parallel_loop3A_194 : i32
        %parallel_loop3A_196 = arith.constant 4 : i32
        %parallel_loop3A_197 = arith.divsi %parallel_loop3A_195, %parallel_loop3A_196 : i32
        %parallel_loop3A_198 = arith.constant 0 : i32
        %parallel_loop3A_199 = arith.cmpi sgt, %parallel_loop3A_195, %parallel_loop3A_198 : i32
        %parallel_loop3A_200 = arith.extui %parallel_loop3A_199 : i1 to i32
        %parallel_loop3A_201 = arith.constant 0 : i32
        %parallel_loop3A_202 = arith.cmpi slt, %parallel_loop3A_195, %parallel_loop3A_201 : i32
        %parallel_loop3A_203 = arith.extui %parallel_loop3A_202 : i1 to i32
        %parallel_loop3A_204 = arith.subi %parallel_loop3A_200, %parallel_loop3A_203 : i32
        %parallel_loop3A_205 = arith.constant 0 : i32
        %parallel_loop3A_206 = arith.cmpi sgt, %parallel_loop3A_196, %parallel_loop3A_205 : i32
        %parallel_loop3A_207 = arith.extui %parallel_loop3A_206 : i1 to i32
        %parallel_loop3A_208 = arith.constant 0 : i32
        %parallel_loop3A_209 = arith.cmpi slt, %parallel_loop3A_196, %parallel_loop3A_208 : i32
        %parallel_loop3A_210 = arith.extui %parallel_loop3A_209 : i1 to i32
        %parallel_loop3A_211 = arith.subi %parallel_loop3A_207, %parallel_loop3A_210 : i32
        %parallel_loop3A_212 = arith.cmpi ne, %parallel_loop3A_204, %parallel_loop3A_211 : i32
        %parallel_loop3A_213 = arith.remsi %parallel_loop3A_195, %parallel_loop3A_196 : i32
        %parallel_loop3A_214 = arith.constant 0 : i32
        %parallel_loop3A_215 = arith.cmpi ne, %parallel_loop3A_213, %parallel_loop3A_214 : i32
        %parallel_loop3A_216 = arith.andi %parallel_loop3A_212, %parallel_loop3A_215 : i1
        %parallel_loop3A_217 = arith.constant 1 : i32
        %parallel_loop3A_218 = arith.subi %parallel_loop3A_197, %parallel_loop3A_217 : i32
        %parallel_loop3A_219 = arith.select %parallel_loop3A_216, %parallel_loop3A_218, %parallel_loop3A_197 : i32
        %parallel_loop3A_220 = arith.constant 4 : i32
        %parallel_loop3A_221 = arith.muli %parallel_loop3A_219, %parallel_loop3A_220 : i32
        %parallel_loop3A_222 = arith.subi %parallel_loop3A_195, %parallel_loop3A_221 : i32
        %parallel_loop3A_223 = vector.broadcast %parallel_loop3A_219 : i32 to vector<16xi32>
        %parallel_loop3A_224 = arith.addi %iota3A, %parallel_loop3A_223 : vector<16xi32>
        %parallel_loop3A_225 = arith.constant 15 : i32
        %parallel_loop3A_226 = vector.broadcast %parallel_loop3A_225 : i32 to vector<16xi32>
        %parallel_loop3A_227 = arith.andi %parallel_loop3A_224, %parallel_loop3A_226 : vector<16xi32>
        %parallel_loop3A_228 = arith.constant 4 : i32
        %parallel_loop3A_229 = vector.broadcast %parallel_loop3A_228 : i32 to vector<16xi32>
        %parallel_loop3A_230 = arith.muli %parallel_loop3A_229, %parallel_loop3A_227 : vector<16xi32>
        %parallel_loop3A_231 = arith.constant 64 : i32
        %parallel_loop3A_232 = arith.muli %parallel_loop3A_192, %parallel_loop3A_231 : i32
        %parallel_loop3A_233 = arith.addi %parallel_loop3A_232, %parallel_loop3A_222 : i32
        %parallel_loop3A_234 = vector.broadcast %parallel_loop3A_233 : i32 to vector<16xi32>
        %parallel_loop3A_235 = arith.addi %parallel_loop3A_230, %parallel_loop3A_234 : vector<16xi32>
        %parallel_loop3A_236 = tpu.vector_load_idx %arg4[%add3A_47, %parallel_loop3A_235] : memref<128x128xf32, #tpu.memory_space<vmem>>[vector<16xi32>, vector<16xi32>], vector<16xf32>,
        tpu.vector_store_idx %arg6[%parallel_loop3A_235, %add3A_47], %parallel_loop3A_236 : memref<128x128xf32, #tpu.memory_space<vmem>>[vector<16xi32>, vector<16xi32>], vector<16xf32>,
        %parallel_loop3A_237 = tpu.vector_load_idx %arg4[%add3A_56, %parallel_loop3A_235] : memref<128x128xf32, #tpu.memory_space<vmem>>[vector<16xi32>, vector<16xi32>], vector<16xf32>,
        tpu.vector_store_idx %arg6[%parallel_loop3A_235, %add3A_56], %parallel_loop3A_237 : memref<128x128xf32, #tpu.memory_space<vmem>>[vector<16xi32>, vector<16xi32>], vector<16xf32>,
        %parallel_loop3A_238 = tpu.vector_load_idx %arg4[%add3A_65, %parallel_loop3A_235] : memref<128x128xf32, #tpu.memory_space<vmem>>[vector<16xi32>, vector<16xi32>], vector<16xf32>,
        tpu.vector_store_idx %arg6[%parallel_loop3A_235, %add3A_65], %parallel_loop3A_238 : memref<128x128xf32, #tpu.memory_space<vmem>>[vector<16xi32>, vector<16xi32>], vector<16xf32>,
        %parallel_loop3A_239 = tpu.vector_load_idx %arg4[%add3A_74, %parallel_loop3A_235] : memref<128x128xf32, #tpu.memory_space<vmem>>[vector<16xi32>, vector<16xi32>], vector<16xf32>,
        tpu.vector_store_idx %arg6[%parallel_loop3A_235, %add3A_74], %parallel_loop3A_239 : memref<128x128xf32, #tpu.memory_space<vmem>>[vector<16xi32>, vector<16xi32>], vector<16xf32>,
      } {sc.loop_unroll_factor = 2 : i64, sc.parallel_access}
      %mul3A_119 = arith.constant 128 : i32
      %mul3A_120 = arith.muli %mul3A_104, %mul3A_119 : i32
      %add3A_121 = arith.addi %mul3A_2, %mul3A_120 : i32
      %dma_start3A_122 = arith.constant 0 : i32
      %dma_start3A_123 = tpu.memref_slice %arg3[%add3A_121, %dma_start3A_122] : memref<65536x128xf32, #tpu.memory_space<hbm>> -> memref<128x128xf32, #tpu.memory_space<hbm>>
      %dma_start3A_124 = arith.constant 0 : i32
      %dma_start3A_125 = tpu.memref_slice %arg3[%add3A_121, %dma_start3A_124] : memref<65536x128xf32, #tpu.memory_space<hbm>> -> memref<128x128xf32, #tpu.memory_space<hbm>>
      tpu.enqueue_dma source(%arg6 : memref<128x128xf32, #tpu.memory_space<vmem>>) target(%dma_start3A_125 : memref<128x128xf32, #tpu.memory_space<hbm>>) target_semaphore(%arg10 : memref<!tpu.dma_semaphore, #tpu.memory_space<semaphore_mem>>)
      %add3A_126 = arith.constant 2 : i32
      %add3A_127 = arith.addi %mul3A_104, %add3A_126 : i32
      %lt3A = arith.constant 16 : i32
      %lt3A_128 = arith.cmpi slt, %add3A_127, %lt3A : i32
      %convert_element_type3A_129 = arith.extui %lt3A_128 : i1 to i32
      %cond3A_130 = arith.constant 0 : i32
      %cond3A_131 = arith.cmpi ne, %convert_element_type3A_129, %cond3A_130 : i32
      scf.if %cond3A_131 {
        %add3A_168 = arith.constant 2 : i32
        %add3A_169 = arith.addi %mul3A_104, %add3A_168 : i32
        %mul3A_170 = arith.constant 128 : i32
        %mul3A_171 = arith.muli %add3A_169, %mul3A_170 : i32
        %add3A_172 = arith.addi %mul3A_2, %mul3A_171 : i32
        %dma_start3A_173 = arith.constant 0 : i32
        %dma_start3A_174 = tpu.memref_slice %arg2[%dma_start3A_173, %add3A_172] : memref<128x65536xf32, #tpu.memory_space<hbm>> -> memref<128x128xf32, #tpu.memory_space<hbm>>
        %dma_start3A_175 = arith.constant 0 : i32
        %dma_start3A_176 = tpu.memref_slice %arg2[%dma_start3A_175, %add3A_172] : memref<128x65536xf32, #tpu.memory_space<hbm>> -> memref<128x128xf32, #tpu.memory_space<hbm>>
        tpu.enqueue_dma source(%dma_start3A_176 : memref<128x128xf32, #tpu.memory_space<hbm>>) target(%arg4 : memref<128x128xf32, #tpu.memory_space<vmem>>) target_semaphore(%arg8 : memref<!tpu.dma_semaphore, #tpu.memory_space<semaphore_mem>>)
      } else {
      }
      %mul3A_132 = arith.constant 2 : i32
      %mul3A_133 = arith.muli %mul3A_132, %scan3A_102 : i32
      %add3A_134 = arith.constant 1 : i32
      %add3A_135 = arith.addi %mul3A_133, %add3A_134 : i32
      %mul3A_136 = arith.constant 128 : i32
      %mul3A_137 = arith.muli %add3A_135, %mul3A_136 : i32
      %add3A_138 = arith.addi %mul3A_2, %mul3A_137 : i32
      %dma_wait3A_139 = arith.constant 0 : i32
      %dma_wait3A_140 = tpu.memref_slice %arg2[%dma_wait3A_139, %add3A_138] : memref<128x65536xf32, #tpu.memory_space<hbm>> -> memref<128x128xf32, #tpu.memory_space<hbm>>
      %dma_wait3A_141 = arith.constant 0 : i32
      %dma_wait3A_142 = tpu.memref_slice %arg2[%dma_wait3A_141, %add3A_138] : memref<128x65536xf32, #tpu.memory_space<hbm>> -> memref<128x128xf32, #tpu.memory_space<hbm>>
      tpu.wait_dma2 semaphore(%arg9 : memref<!tpu.dma_semaphore, #tpu.memory_space<semaphore_mem>>) src(%dma_wait3A_142 : memref<128x128xf32, #tpu.memory_space<hbm>>) dst(%arg5 : memref<128x128xf32, #tpu.memory_space<vmem>>)
      %gt3A_143 = arith.constant 1 : i32
      %gt3A_144 = arith.cmpi sgt, %add3A_135, %gt3A_143 : i32
      %convert_element_type3A_145 = arith.extui %gt3A_144 : i1 to i32
      %cond3A_146 = arith.constant 0 : i32
      %cond3A_147 = arith.cmpi ne, %convert_element_type3A_145, %cond3A_146 : i32
      scf.if %cond3A_147 {
        %mul3A_168 = arith.constant 128 : i32
        %mul3A_169 = arith.muli %add3A_135, %mul3A_168 : i32
        %add3A_170 = arith.addi %mul3A_2, %mul3A_169 : i32
        %dma_wait3A_171 = arith.constant 0 : i32
        %dma_wait3A_172 = tpu.memref_slice %arg3[%add3A_170, %dma_wait3A_171] : memref<65536x128xf32, #tpu.memory_space<hbm>> -> memref<128x128xf32, #tpu.memory_space<hbm>>
        %dma_wait3A_173 = arith.constant 0 : i32
        %dma_wait3A_174 = tpu.memref_slice %arg3[%add3A_170, %dma_wait3A_173] : memref<65536x128xf32, #tpu.memory_space<hbm>> -> memref<128x128xf32, #tpu.memory_space<hbm>>
        tpu.wait_dma2 semaphore(%arg11 : memref<!tpu.dma_semaphore, #tpu.memory_space<semaphore_mem>>) src(%arg7 : memref<128x128xf32, #tpu.memory_space<vmem>>) dst(%dma_wait3A_174 : memref<128x128xf32, #tpu.memory_space<hbm>>)
      } else {
      }
      %parallel_loop3A_148 = arith.constant 0 : i32
      %parallel_loop3A_149 = arith.constant 128 : i32
      %parallel_loop3A_150 = arith.constant 1 : i32
      scf.for %parallel_loop3A_168 = %parallel_loop3A_148 to %parallel_loop3A_149 step %parallel_loop3A_150  : i32 {
        %parallel_loop3A_169 = arith.constant 64 : i32
        %parallel_loop3A_170 = arith.divsi %parallel_loop3A_168, %parallel_loop3A_169 : i32
        %parallel_loop3A_171 = arith.constant 0 : i32
        %parallel_loop3A_172 = arith.cmpi sgt, %parallel_loop3A_168, %parallel_loop3A_171 : i32
        %parallel_loop3A_173 = arith.extui %parallel_loop3A_172 : i1 to i32
        %parallel_loop3A_174 = arith.constant 0 : i32
        %parallel_loop3A_175 = arith.cmpi slt, %parallel_loop3A_168, %parallel_loop3A_174 : i32
        %parallel_loop3A_176 = arith.extui %parallel_loop3A_175 : i1 to i32
        %parallel_loop3A_177 = arith.subi %parallel_loop3A_173, %parallel_loop3A_176 : i32
        %parallel_loop3A_178 = arith.constant 0 : i32
        %parallel_loop3A_179 = arith.cmpi sgt, %parallel_loop3A_169, %parallel_loop3A_178 : i32
        %parallel_loop3A_180 = arith.extui %parallel_loop3A_179 : i1 to i32
        %parallel_loop3A_181 = arith.constant 0 : i32
        %parallel_loop3A_182 = arith.cmpi slt, %parallel_loop3A_169, %parallel_loop3A_181 : i32
        %parallel_loop3A_183 = arith.extui %parallel_loop3A_182 : i1 to i32
        %parallel_loop3A_184 = arith.subi %parallel_loop3A_180, %parallel_loop3A_183 : i32
        %parallel_loop3A_185 = arith.cmpi ne, %parallel_loop3A_177, %parallel_loop3A_184 : i32
        %parallel_loop3A_186 = arith.remsi %parallel_loop3A_168, %parallel_loop3A_169 : i32
        %parallel_loop3A_187 = arith.constant 0 : i32
        %parallel_loop3A_188 = arith.cmpi ne, %parallel_loop3A_186, %parallel_loop3A_187 : i32
        %parallel_loop3A_189 = arith.andi %parallel_loop3A_185, %parallel_loop3A_188 : i1
        %parallel_loop3A_190 = arith.constant 1 : i32
        %parallel_loop3A_191 = arith.subi %parallel_loop3A_170, %parallel_loop3A_190 : i32
        %parallel_loop3A_192 = arith.select %parallel_loop3A_189, %parallel_loop3A_191, %parallel_loop3A_170 : i32
        %parallel_loop3A_193 = arith.constant 64 : i32
        %parallel_loop3A_194 = arith.muli %parallel_loop3A_192, %parallel_loop3A_193 : i32
        %parallel_loop3A_195 = arith.subi %parallel_loop3A_168, %parallel_loop3A_194 : i32
        %parallel_loop3A_196 = arith.constant 4 : i32
        %parallel_loop3A_197 = arith.divsi %parallel_loop3A_195, %parallel_loop3A_196 : i32
        %parallel_loop3A_198 = arith.constant 0 : i32
        %parallel_loop3A_199 = arith.cmpi sgt, %parallel_loop3A_195, %parallel_loop3A_198 : i32
        %parallel_loop3A_200 = arith.extui %parallel_loop3A_199 : i1 to i32
        %parallel_loop3A_201 = arith.constant 0 : i32
        %parallel_loop3A_202 = arith.cmpi slt, %parallel_loop3A_195, %parallel_loop3A_201 : i32
        %parallel_loop3A_203 = arith.extui %parallel_loop3A_202 : i1 to i32
        %parallel_loop3A_204 = arith.subi %parallel_loop3A_200, %parallel_loop3A_203 : i32
        %parallel_loop3A_205 = arith.constant 0 : i32
        %parallel_loop3A_206 = arith.cmpi sgt, %parallel_loop3A_196, %parallel_loop3A_205 : i32
        %parallel_loop3A_207 = arith.extui %parallel_loop3A_206 : i1 to i32
        %parallel_loop3A_208 = arith.constant 0 : i32
        %parallel_loop3A_209 = arith.cmpi slt, %parallel_loop3A_196, %parallel_loop3A_208 : i32
        %parallel_loop3A_210 = arith.extui %parallel_loop3A_209 : i1 to i32
        %parallel_loop3A_211 = arith.subi %parallel_loop3A_207, %parallel_loop3A_210 : i32
        %parallel_loop3A_212 = arith.cmpi ne, %parallel_loop3A_204, %parallel_loop3A_211 : i32
        %parallel_loop3A_213 = arith.remsi %parallel_loop3A_195, %parallel_loop3A_196 : i32
        %parallel_loop3A_214 = arith.constant 0 : i32
        %parallel_loop3A_215 = arith.cmpi ne, %parallel_loop3A_213, %parallel_loop3A_214 : i32
        %parallel_loop3A_216 = arith.andi %parallel_loop3A_212, %parallel_loop3A_215 : i1
        %parallel_loop3A_217 = arith.constant 1 : i32
        %parallel_loop3A_218 = arith.subi %parallel_loop3A_197, %parallel_loop3A_217 : i32
        %parallel_loop3A_219 = arith.select %parallel_loop3A_216, %parallel_loop3A_218, %parallel_loop3A_197 : i32
        %parallel_loop3A_220 = arith.constant 4 : i32
        %parallel_loop3A_221 = arith.muli %parallel_loop3A_219, %parallel_loop3A_220 : i32
        %parallel_loop3A_222 = arith.subi %parallel_loop3A_195, %parallel_loop3A_221 : i32
        %parallel_loop3A_223 = vector.broadcast %parallel_loop3A_219 : i32 to vector<16xi32>
        %parallel_loop3A_224 = arith.addi %iota3A, %parallel_loop3A_223 : vector<16xi32>
        %parallel_loop3A_225 = arith.constant 15 : i32
        %parallel_loop3A_226 = vector.broadcast %parallel_loop3A_225 : i32 to vector<16xi32>
        %parallel_loop3A_227 = arith.andi %parallel_loop3A_224, %parallel_loop3A_226 : vector<16xi32>
        %parallel_loop3A_228 = arith.constant 4 : i32
        %parallel_loop3A_229 = vector.broadcast %parallel_loop3A_228 : i32 to vector<16xi32>
        %parallel_loop3A_230 = arith.muli %parallel_loop3A_229, %parallel_loop3A_227 : vector<16xi32>
        %parallel_loop3A_231 = arith.constant 64 : i32
        %parallel_loop3A_232 = arith.muli %parallel_loop3A_192, %parallel_loop3A_231 : i32
        %parallel_loop3A_233 = arith.addi %parallel_loop3A_232, %parallel_loop3A_222 : i32
        %parallel_loop3A_234 = vector.broadcast %parallel_loop3A_233 : i32 to vector<16xi32>
        %parallel_loop3A_235 = arith.addi %parallel_loop3A_230, %parallel_loop3A_234 : vector<16xi32>
        %parallel_loop3A_236 = tpu.vector_load_idx %arg5[%add3A_11, %parallel_loop3A_235] : memref<128x128xf32, #tpu.memory_space<vmem>>[vector<16xi32>, vector<16xi32>], vector<16xf32>,
        tpu.vector_store_idx %arg7[%parallel_loop3A_235, %add3A_11], %parallel_loop3A_236 : memref<128x128xf32, #tpu.memory_space<vmem>>[vector<16xi32>, vector<16xi32>], vector<16xf32>,
        %parallel_loop3A_237 = tpu.vector_load_idx %arg5[%add3A_20, %parallel_loop3A_235] : memref<128x128xf32, #tpu.memory_space<vmem>>[vector<16xi32>, vector<16xi32>], vector<16xf32>,
        tpu.vector_store_idx %arg7[%parallel_loop3A_235, %add3A_20], %parallel_loop3A_237 : memref<128x128xf32, #tpu.memory_space<vmem>>[vector<16xi32>, vector<16xi32>], vector<16xf32>,
        %parallel_loop3A_238 = tpu.vector_load_idx %arg5[%add3A_29, %parallel_loop3A_235] : memref<128x128xf32, #tpu.memory_space<vmem>>[vector<16xi32>, vector<16xi32>], vector<16xf32>,
        tpu.vector_store_idx %arg7[%parallel_loop3A_235, %add3A_29], %parallel_loop3A_238 : memref<128x128xf32, #tpu.memory_space<vmem>>[vector<16xi32>, vector<16xi32>], vector<16xf32>,
        %parallel_loop3A_239 = tpu.vector_load_idx %arg5[%add3A_38, %parallel_loop3A_235] : memref<128x128xf32, #tpu.memory_space<vmem>>[vector<16xi32>, vector<16xi32>], vector<16xf32>,
        tpu.vector_store_idx %arg7[%parallel_loop3A_235, %add3A_38], %parallel_loop3A_239 : memref<128x128xf32, #tpu.memory_space<vmem>>[vector<16xi32>, vector<16xi32>], vector<16xf32>,
      } {sc.loop_unroll_factor = 2 : i64, sc.parallel_access}
      %parallel_loop3A_151 = arith.constant 0 : i32
      %parallel_loop3A_152 = arith.constant 128 : i32
      %parallel_loop3A_153 = arith.constant 1 : i32
      scf.for %parallel_loop3A_168 = %parallel_loop3A_151 to %parallel_loop3A_152 step %parallel_loop3A_153  : i32 {
        %parallel_loop3A_169 = arith.constant 64 : i32
        %parallel_loop3A_170 = arith.divsi %parallel_loop3A_168, %parallel_loop3A_169 : i32
        %parallel_loop3A_171 = arith.constant 0 : i32
        %parallel_loop3A_172 = arith.cmpi sgt, %parallel_loop3A_168, %parallel_loop3A_171 : i32
        %parallel_loop3A_173 = arith.extui %parallel_loop3A_172 : i1 to i32
        %parallel_loop3A_174 = arith.constant 0 : i32
        %parallel_loop3A_175 = arith.cmpi slt, %parallel_loop3A_168, %parallel_loop3A_174 : i32
        %parallel_loop3A_176 = arith.extui %parallel_loop3A_175 : i1 to i32
        %parallel_loop3A_177 = arith.subi %parallel_loop3A_173, %parallel_loop3A_176 : i32
        %parallel_loop3A_178 = arith.constant 0 : i32
        %parallel_loop3A_179 = arith.cmpi sgt, %parallel_loop3A_169, %parallel_loop3A_178 : i32
        %parallel_loop3A_180 = arith.extui %parallel_loop3A_179 : i1 to i32
        %parallel_loop3A_181 = arith.constant 0 : i32
        %parallel_loop3A_182 = arith.cmpi slt, %parallel_loop3A_169, %parallel_loop3A_181 : i32
        %parallel_loop3A_183 = arith.extui %parallel_loop3A_182 : i1 to i32
        %parallel_loop3A_184 = arith.subi %parallel_loop3A_180, %parallel_loop3A_183 : i32
        %parallel_loop3A_185 = arith.cmpi ne, %parallel_loop3A_177, %parallel_loop3A_184 : i32
        %parallel_loop3A_186 = arith.remsi %parallel_loop3A_168, %parallel_loop3A_169 : i32
        %parallel_loop3A_187 = arith.constant 0 : i32
        %parallel_loop3A_188 = arith.cmpi ne, %parallel_loop3A_186, %parallel_loop3A_187 : i32
        %parallel_loop3A_189 = arith.andi %parallel_loop3A_185, %parallel_loop3A_188 : i1
        %parallel_loop3A_190 = arith.constant 1 : i32
        %parallel_loop3A_191 = arith.subi %parallel_loop3A_170, %parallel_loop3A_190 : i32
        %parallel_loop3A_192 = arith.select %parallel_loop3A_189, %parallel_loop3A_191, %parallel_loop3A_170 : i32
        %parallel_loop3A_193 = arith.constant 64 : i32
        %parallel_loop3A_194 = arith.muli %parallel_loop3A_192, %parallel_loop3A_193 : i32
        %parallel_loop3A_195 = arith.subi %parallel_loop3A_168, %parallel_loop3A_194 : i32
        %parallel_loop3A_196 = arith.constant 4 : i32
        %parallel_loop3A_197 = arith.divsi %parallel_loop3A_195, %parallel_loop3A_196 : i32
        %parallel_loop3A_198 = arith.constant 0 : i32
        %parallel_loop3A_199 = arith.cmpi sgt, %parallel_loop3A_195, %parallel_loop3A_198 : i32
        %parallel_loop3A_200 = arith.extui %parallel_loop3A_199 : i1 to i32
        %parallel_loop3A_201 = arith.constant 0 : i32
        %parallel_loop3A_202 = arith.cmpi slt, %parallel_loop3A_195, %parallel_loop3A_201 : i32
        %parallel_loop3A_203 = arith.extui %parallel_loop3A_202 : i1 to i32
        %parallel_loop3A_204 = arith.subi %parallel_loop3A_200, %parallel_loop3A_203 : i32
        %parallel_loop3A_205 = arith.constant 0 : i32
        %parallel_loop3A_206 = arith.cmpi sgt, %parallel_loop3A_196, %parallel_loop3A_205 : i32
        %parallel_loop3A_207 = arith.extui %parallel_loop3A_206 : i1 to i32
        %parallel_loop3A_208 = arith.constant 0 : i32
        %parallel_loop3A_209 = arith.cmpi slt, %parallel_loop3A_196, %parallel_loop3A_208 : i32
        %parallel_loop3A_210 = arith.extui %parallel_loop3A_209 : i1 to i32
        %parallel_loop3A_211 = arith.subi %parallel_loop3A_207, %parallel_loop3A_210 : i32
        %parallel_loop3A_212 = arith.cmpi ne, %parallel_loop3A_204, %parallel_loop3A_211 : i32
        %parallel_loop3A_213 = arith.remsi %parallel_loop3A_195, %parallel_loop3A_196 : i32
        %parallel_loop3A_214 = arith.constant 0 : i32
        %parallel_loop3A_215 = arith.cmpi ne, %parallel_loop3A_213, %parallel_loop3A_214 : i32
        %parallel_loop3A_216 = arith.andi %parallel_loop3A_212, %parallel_loop3A_215 : i1
        %parallel_loop3A_217 = arith.constant 1 : i32
        %parallel_loop3A_218 = arith.subi %parallel_loop3A_197, %parallel_loop3A_217 : i32
        %parallel_loop3A_219 = arith.select %parallel_loop3A_216, %parallel_loop3A_218, %parallel_loop3A_197 : i32
        %parallel_loop3A_220 = arith.constant 4 : i32
        %parallel_loop3A_221 = arith.muli %parallel_loop3A_219, %parallel_loop3A_220 : i32
        %parallel_loop3A_222 = arith.subi %parallel_loop3A_195, %parallel_loop3A_221 : i32
        %parallel_loop3A_223 = vector.broadcast %parallel_loop3A_219 : i32 to vector<16xi32>
        %parallel_loop3A_224 = arith.addi %iota3A, %parallel_loop3A_223 : vector<16xi32>
        %parallel_loop3A_225 = arith.constant 15 : i32
        %parallel_loop3A_226 = vector.broadcast %parallel_loop3A_225 : i32 to vector<16xi32>
        %parallel_loop3A_227 = arith.andi %parallel_loop3A_224, %parallel_loop3A_226 : vector<16xi32>
        %parallel_loop3A_228 = arith.constant 4 : i32
        %parallel_loop3A_229 = vector.broadcast %parallel_loop3A_228 : i32 to vector<16xi32>
        %parallel_loop3A_230 = arith.muli %parallel_loop3A_229, %parallel_loop3A_227 : vector<16xi32>
        %parallel_loop3A_231 = arith.constant 64 : i32
        %parallel_loop3A_232 = arith.muli %parallel_loop3A_192, %parallel_loop3A_231 : i32
        %parallel_loop3A_233 = arith.addi %parallel_loop3A_232, %parallel_loop3A_222 : i32
        %parallel_loop3A_234 = vector.broadcast %parallel_loop3A_233 : i32 to vector<16xi32>
        %parallel_loop3A_235 = arith.addi %parallel_loop3A_230, %parallel_loop3A_234 : vector<16xi32>
        %parallel_loop3A_236 = tpu.vector_load_idx %arg5[%add3A_47, %parallel_loop3A_235] : memref<128x128xf32, #tpu.memory_space<vmem>>[vector<16xi32>, vector<16xi32>], vector<16xf32>,
        tpu.vector_store_idx %arg7[%parallel_loop3A_235, %add3A_47], %parallel_loop3A_236 : memref<128x128xf32, #tpu.memory_space<vmem>>[vector<16xi32>, vector<16xi32>], vector<16xf32>,
        %parallel_loop3A_237 = tpu.vector_load_idx %arg5[%add3A_56, %parallel_loop3A_235] : memref<128x128xf32, #tpu.memory_space<vmem>>[vector<16xi32>, vector<16xi32>], vector<16xf32>,
        tpu.vector_store_idx %arg7[%parallel_loop3A_235, %add3A_56], %parallel_loop3A_237 : memref<128x128xf32, #tpu.memory_space<vmem>>[vector<16xi32>, vector<16xi32>], vector<16xf32>,
        %parallel_loop3A_238 = tpu.vector_load_idx %arg5[%add3A_65, %parallel_loop3A_235] : memref<128x128xf32, #tpu.memory_space<vmem>>[vector<16xi32>, vector<16xi32>], vector<16xf32>,
        tpu.vector_store_idx %arg7[%parallel_loop3A_235, %add3A_65], %parallel_loop3A_238 : memref<128x128xf32, #tpu.memory_space<vmem>>[vector<16xi32>, vector<16xi32>], vector<16xf32>,
        %parallel_loop3A_239 = tpu.vector_load_idx %arg5[%add3A_74, %parallel_loop3A_235] : memref<128x128xf32, #tpu.memory_space<vmem>>[vector<16xi32>, vector<16xi32>], vector<16xf32>,
        tpu.vector_store_idx %arg7[%parallel_loop3A_235, %add3A_74], %parallel_loop3A_239 : memref<128x128xf32, #tpu.memory_space<vmem>>[vector<16xi32>, vector<16xi32>], vector<16xf32>,
      } {sc.loop_unroll_factor = 2 : i64, sc.parallel_access}
      %mul3A_154 = arith.constant 128 : i32
      %mul3A_155 = arith.muli %add3A_135, %mul3A_154 : i32
      %add3A_156 = arith.addi %mul3A_2, %mul3A_155 : i32
      %dma_start3A_157 = arith.constant 0 : i32
      %dma_start3A_158 = tpu.memref_slice %arg3[%add3A_156, %dma_start3A_157] : memref<65536x128xf32, #tpu.memory_space<hbm>> -> memref<128x128xf32, #tpu.memory_space<hbm>>
      %dma_start3A_159 = arith.constant 0 : i32
      %dma_start3A_160 = tpu.memref_slice %arg3[%add3A_156, %dma_start3A_159] : memref<65536x128xf32, #tpu.memory_space<hbm>> -> memref<128x128xf32, #tpu.memory_space<hbm>>
      tpu.enqueue_dma source(%arg7 : memref<128x128xf32, #tpu.memory_space<vmem>>) target(%dma_start3A_160 : memref<128x128xf32, #tpu.memory_space<hbm>>) target_semaphore(%arg11 : memref<!tpu.dma_semaphore, #tpu.memory_space<semaphore_mem>>)
      %add3A_161 = arith.constant 2 : i32
      %add3A_162 = arith.addi %add3A_135, %add3A_161 : i32
      %lt3A_163 = arith.constant 16 : i32
      %lt3A_164 = arith.cmpi slt, %add3A_162, %lt3A_163 : i32
      %convert_element_type3A_165 = arith.extui %lt3A_164 : i1 to i32
      %cond3A_166 = arith.constant 0 : i32
      %cond3A_167 = arith.cmpi ne, %convert_element_type3A_165, %cond3A_166 : i32
      scf.if %cond3A_167 {
        %add3A_168 = arith.constant 2 : i32
        %add3A_169 = arith.addi %add3A_135, %add3A_168 : i32
        %mul3A_170 = arith.constant 128 : i32
        %mul3A_171 = arith.muli %add3A_169, %mul3A_170 : i32
        %add3A_172 = arith.addi %mul3A_2, %mul3A_171 : i32
        %dma_start3A_173 = arith.constant 0 : i32
        %dma_start3A_174 = tpu.memref_slice %arg2[%dma_start3A_173, %add3A_172] : memref<128x65536xf32, #tpu.memory_space<hbm>> -> memref<128x128xf32, #tpu.memory_space<hbm>>
        %dma_start3A_175 = arith.constant 0 : i32
        %dma_start3A_176 = tpu.memref_slice %arg2[%dma_start3A_175, %add3A_172] : memref<128x65536xf32, #tpu.memory_space<hbm>> -> memref<128x128xf32, #tpu.memory_space<hbm>>
        tpu.enqueue_dma source(%dma_start3A_176 : memref<128x128xf32, #tpu.memory_space<hbm>>) target(%arg5 : memref<128x128xf32, #tpu.memory_space<vmem>>) target_semaphore(%arg9 : memref<!tpu.dma_semaphore, #tpu.memory_space<semaphore_mem>>)
      } else {
      }
    }
    %scan3A_90 = arith.constant 8 : i32
    %add3A_91 = arith.constant 1792 : i32
    %add3A_92 = arith.addi %mul3A_2, %add3A_91 : i32
    %dma_wait3A = arith.constant 0 : i32
    %dma_wait3A_93 = tpu.memref_slice %arg3[%add3A_92, %dma_wait3A] : memref<65536x128xf32, #tpu.memory_space<hbm>> -> memref<128x128xf32, #tpu.memory_space<hbm>>
    %dma_wait3A_94 = arith.constant 0 : i32
    %dma_wait3A_95 = tpu.memref_slice %arg3[%add3A_92, %dma_wait3A_94] : memref<65536x128xf32, #tpu.memory_space<hbm>> -> memref<128x128xf32, #tpu.memory_space<hbm>>
    tpu.wait_dma2 semaphore(%arg10 : memref<!tpu.dma_semaphore, #tpu.memory_space<semaphore_mem>>) src(%arg6 : memref<128x128xf32, #tpu.memory_space<vmem>>) dst(%dma_wait3A_95 : memref<128x128xf32, #tpu.memory_space<hbm>>)
    %add3A_96 = arith.constant 1920 : i32
    %add3A_97 = arith.addi %mul3A_2, %add3A_96 : i32
    %dma_wait3A_98 = arith.constant 0 : i32
    %dma_wait3A_99 = tpu.memref_slice %arg3[%add3A_97, %dma_wait3A_98] : memref<65536x128xf32, #tpu.memory_space<hbm>> -> memref<128x128xf32, #tpu.memory_space<hbm>>
    %dma_wait3A_100 = arith.constant 0 : i32
    %dma_wait3A_101 = tpu.memref_slice %arg3[%add3A_97, %dma_wait3A_100] : memref<65536x128xf32, #tpu.memory_space<hbm>> -> memref<128x128xf32, #tpu.memory_space<hbm>>
    tpu.wait_dma2 semaphore(%arg11 : memref<!tpu.dma_semaphore, #tpu.memory_space<semaphore_mem>>) src(%arg7 : memref<128x128xf32, #tpu.memory_space<vmem>>) dst(%dma_wait3A_101 : memref<128x128xf32, #tpu.memory_space<hbm>>)
    return
  }
}

</mosaic_0001>

<sc_bundles>
// kernel: kernel.3.cloned.1.call-start
scs
__scs_entry_jumppad:
0x0: {  	(pc) =	sbr.rel $0x88, $3  }
0x1: {  	(tag) =	ssettag $0x0;
	lr =	simm.s32 $0x1  }
0x2: {  	[smem:$0x3FA0] =	sst lr;
	_ =	strace $0xD0000000  }
0x3: {  	_ = 	snop  }
0x4: {  	_ = 	snop  }
0x5: {  	_ = 	snop  }
0x6: {  	_ = 	snop  }
0x7: {  	_ = 	snop  }
__scs_overlays_trampoline_lowered:
0x8: {  	[smem:$0x3FAF] =	sst s0  }
0x9: {  	[smem:$0x3FB0] =	sst s1  }
0xa: {  	[smem:$0x3FB1] =	sst s2  }
0xb: {  	[smem:$0x3FB2] =	sst s3  }
0xc: {  	[smem:$0x3FB3] =	sst s4  }
0xd: {  	[smem:$0x3FB4] =	sst s5  }
0xe: {  	[smem:$0x3FB5] =	sst s6  }
0xf: {  	[smem:$0x3FB6] =	sst s7  }
0x10: {  	[smem:$0x3FB7] =	sst s8  }
0x11: {  	[smem:$0x3FB8] =	sst s9;
	s0 =	simm.s32 @!p0 $0x0  }
0x12: {  	s1 =	sld [smem:$0x3F9E];
	s0 =	simm.s32 @p0 $0x1  }
0x13: {  	[smem:$0x3FB9] =	sst s0;
	s0 =	simm.s32 @!p1 $0x0  }
0x14: {  	s2 =	sld [smem:$0x3F9D];
	s0 =	simm.s32 @p1 $0x1  }
0x15: {  	[smem:$0x3FBA] =	sst s0;
	s0 =	simm.s32 @!p2 $0x0  }
0x16: {  	s3 =	sld [smem:$0x3FDB];
	s0 =	simm.s32 @p2 $0x1  }
0x17: {  	s4 =	simm.s32 $0x1BF5;
	[smem:$0x3FBC] =	sst s0  }
0x18: {  	s0 =	sld [smem:$0x3F9F];
	_ =	swait.ge [sflag:s4], $0x0  }
0x19: {  	s7 =	sld [smem:$0x3FA0]  }
0x1a: {  	s8 =	sadd.s32 $0xFFFFE003, lr  }
0x1b: {  	s9 =	sadd.s32 $0xFFFFFEF7, lr;
	s5 =	simm.s32 $0xFFFFFFFF;
	p2 =	slt.u32 s8, $0xFFFFF086  }
0x1c: {  	p1 =	slt.u32 s9, $0xF7A;
	s5 =	simm.s32 @!p2 $0x0  }
0x1d: {  	s5 =	simm.s32 @p1 $0x1;
	p0 =	seq.s32 s7, s2  }
0x1e: {  	s7 =	smul.u32 @!p0 $0xF7A, s2;
	p2 =	seq.s32 @!p0 s5, $0x0  }
0x1f: {  	s9 =	smul.u32 $0xF7A, s1;
	s8 =	simm.s32 @!p0 $0x1BF5;
	p2 =	por !p2, p0  }
0x20: {  	[sflag:s8] =	ssyncset.s32 @!p0 $0xFFFFF086;
	s6 =	sadd.s32 @!p0 s3, s7;
	s7 =	simm.s32 @!p0 $0x108  }
0x21: {  	s3 =	sadd.s32 s3, s9;
	s6 =	sadd.s32 @!p0 $0x88, s6;
	s7 =	simm.s32 @p2 $0x1082  }
0x22: {  	[simem:s7], [sflag:s8] =	dma.local @!p0 [hbm:s6], $0xF7A  }
0x23: {  	s9 =	sor.u32 $0xD0000000, s2;
	s6 =	simm.s32 $0x108;
	_ =	swait.ge @!p0 [sflag:s8], $0x0  }
0x24: {  	s3 =	sadd.s32 $0x88, s3;
	s6 =	simm.s32 @!p1 $0x1082;
	[sflag:s4] =	ssyncset.s32 $0xFFFFF086  }
0x25: {  	[simem:s6], [sflag:s4] =	dma.local [hbm:s3], $0xF7A  }
0x26: {  	[smem:$0x3FA0] =	sst s1;
	(tag) =	ssettag s2;
	_ =	strace s9  }
0x27: {  	s1 =	sld [smem:$0x3FB0]  }
0x28: {  	s2 =	sld [smem:$0x3FB1]  }
0x29: {  	s4 =	sld [smem:$0x3FB3]  }
0x2a: {  	p0 =	seq.s32 s5, $0x0;
	s5 =	sld [smem:$0x3FB4]  }
0x2b: {  	s6 =	sld [smem:$0x3FB5]  }
0x2c: {  	s7 =	sld [smem:$0x3FB6]  }
0x2d: {  	s3 =	simm.s32 $0x108;
	s8 =	sld [smem:$0x3FB7]  }
0x2e: {  	s3 =	simm.s32 @!p0 $0x1082;
	s9 =	sld [smem:$0x3FB8]  }
0x2f: {  	lr =	sadd.s32 s0, s3;
	s0 =	sld [smem:$0x3FAF]  }
0x30: {  	s3 =	sld [smem:$0x3FB2]  }
0x31: {  	[smem:$0x3FBB] =	sst s10  }
0x32: {  	s10 =	sld [smem:$0x3FB9];
	_ =	sdelay $0x3  }
0x33: {  	p0 =	seq.s32 s10, $0x1;
	s10 =	sld [smem:$0x3FBB];
	_ =	sdelay $0x3  }
0x34: {  	[smem:$0x3FBB] =	sst s10  }
0x35: {  	s10 =	sld [smem:$0x3FBA];
	_ =	sdelay $0x3  }
0x36: {  	p1 =	seq.s32 s10, $0x1;
	s10 =	sld [smem:$0x3FBB];
	_ =	sdelay $0x3  }
0x37: {  	[smem:$0x3FBB] =	sst s10  }
0x38: {  	s10 =	sld [smem:$0x3FBC]  }
0x39: {  	_ = 	snop;
	(pc) =	sbr.ind lr, $3  }
0x3a: {  	_ = 	snop  }
0x3b: {  	_ = 	snop  }
0x3c: {  	p2 =	seq.s32 s10, $0x1;
	s10 =	sld [smem:$0x3FBB]  }
0x3d: {  	_ =	shalt  }
0x3e: {  	_ =	shalt  }
0x3f: {  	_ =	shalt  }
0x40: {  	_ =	shalt  }
0x41: {  	_ =	shalt  }
0x42: {  	_ =	shalt  }
0x43: {  	_ =	shalt  }
0x44: {  	_ =	shalt  }
0x45: {  	_ =	shalt  }
0x46: {  	_ =	shalt  }
0x47: {  	_ =	shalt  }
0x48: {  	_ =	shalt  }
0x49: {  	_ =	shalt  }
0x4a: {  	_ =	shalt  }
0x4b: {  	_ =	shalt  }
0x4c: {  	_ =	shalt  }
0x4d: {  	_ =	shalt  }
0x4e: {  	_ =	shalt  }
0x4f: {  	_ =	shalt  }
0x50: {  	_ =	shalt  }
0x51: {  	_ =	shalt  }
0x52: {  	_ =	shalt  }
0x53: {  	_ =	shalt  }
0x54: {  	_ =	shalt  }
0x55: {  	_ =	shalt  }
0x56: {  	_ =	shalt  }
0x57: {  	_ =	shalt  }
0x58: {  	_ =	shalt  }
0x59: {  	_ =	shalt  }
0x5a: {  	_ =	shalt  }
0x5b: {  	_ =	shalt  }
0x5c: {  	_ =	shalt  }
0x5d: {  	_ =	shalt  }
0x5e: {  	_ =	shalt  }
0x5f: {  	_ =	shalt  }
0x60: {  	_ =	shalt  }
0x61: {  	_ =	shalt  }
0x62: {  	_ =	shalt  }
0x63: {  	_ =	shalt  }
0x64: {  	_ =	shalt  }
0x65: {  	_ =	shalt  }
0x66: {  	_ =	shalt  }
0x67: {  	_ =	shalt  }
0x68: {  	_ =	shalt  }
0x69: {  	_ =	shalt  }
0x6a: {  	_ =	shalt  }
0x6b: {  	_ =	shalt  }
0x6c: {  	_ =	shalt  }
0x6d: {  	_ =	shalt  }
0x6e: {  	_ =	shalt  }
0x6f: {  	_ =	shalt  }
0x70: {  	_ =	shalt  }
0x71: {  	_ =	shalt  }
0x72: {  	_ =	shalt  }
0x73: {  	_ =	shalt  }
0x74: {  	_ =	shalt  }
0x75: {  	_ =	shalt  }
0x76: {  	_ =	shalt  }
0x77: {  	_ =	shalt  }
0x78: {  	_ =	shalt  }
0x79: {  	_ =	shalt  }
0x7a: {  	_ =	shalt  }
0x7b: {  	_ =	shalt  }
0x7c: {  	_ =	shalt  }
0x7d: {  	_ =	shalt  }
0x7e: {  	_ =	shalt  }
0x7f: {  	_ =	shalt  }
0x80: {  	_ =	shalt  }
0x81: {  	_ =	shalt  }
0x82: {  	_ =	shalt  }
0x83: {  	_ =	shalt  }
0x84: {  	_ =	shalt  }
0x85: {  	_ =	shalt  }
0x86: {  	_ =	shalt  }
0x87: {  	_ =	shalt  }
.Lfunc_end0:
.L_simem_size_0:
called_computation_lowered:
.L_overlay_start_0:
0x88: {  	s2 =	sld [smem:$0x3FD9]  }
0x89: {  	s3 =	sld [smem:$0x3FFE];
	_ =	sdelay $0x1  }
0x8a: {  	s1 =	srdreg.scid  }
0x8b: {  	s0 =	sand.u32 $0x1, s1  }
0x8c: {  	s18 =	sshll.u32 s0, $0xA;
	s2 =	sadd.s32 s3, s2  }
0x8d: {  	s2 =	sadd.s32 s2, s18  }
0x8e: {  	[smem:$0x3FC7] =	sst s2  }
0x8f: {  	_ = 	snop  }
0x90: {  	s2 =	sld [smem:$0x3FC9]  }
0x91: {  	s19 =	sld [smem:$0x3FD0];
	(tm) =	ssettm $0x1  }
0x92: {  	s4 =	sld [smem:$0x3FFB];
	_ =	sdelay $0x3  }
0x93: {  	_ =	strace s4  }
0x94: {  	s4 =	sld [smem:$0x3FFC];
	_ =	sdelay $0x3  }
0x95: {  	_ =	strace s4  }
0x96: {  	s4 =	sld [smem:$0x3FFD];
	_ =	sdelay $0x3  }
0x97: {  	_ =	strace s4  }
0x98: {  	_ =	strace $0x8FFFFFFF  }
0x99: {  	s20 =	sld [smem:$0x3FDB];
	_ =	sdelay $0x1  }
0x9a: {  	s5 =	simm.s32 $_scs_section_size  }
0x9b: {  	s6 =	simm.s32 $_size__tile_overlayer_lowered;
	s7 =	simm.s32 $_tile_overlayer_lowered  }
0x9c: {  	s23 =	simm.s32 $0x1BFF;
	s22 =	sshll.u32 s7, $0x1;
	s4 =	sadd.s32 s5, s20  }
0x9d: {  	s8 =	simm.s32 $0x0;
	s21 =	sshll.u32 s6, $0x1;
	s6 =	sadd.s32 s22, s4  }
0x9e: {  	[timem:s8], [sflag:s23] =	dma.local [hbm:s6], s21  }
0x9f: {  	_ =	swait.ge [sflag:s23], s21  }
0xa0: {  	s5 =	ssub.s32 $0x0, s21;
	[sflag:s23] =	ssyncset.done $0x0  }
0xa1: {  	[sflag:s23] =	ssyncadd.s32 s5;
	_ =	sdelay $0x1  }
0xa2: {  	s24 =	simm.s32 $0x1B8B  }
0xa3: {  	_ =	swait.ge [sflag:s24], $0x1  }
0xa4: {  	[sflag:s24] =	ssyncset.done $0x0  }
0xa5: {  	s25 =	simm.s32 $0x1B8E;
	[sflag:s24] =	ssyncadd.s32 $0xFFFFFFFF  }
0xa6: {  	s26 =	simm.s32 $execute0_lowered;
	[smem:$0x3FD2] =	sst s25  }
0xa7: {  	s5 =	sshll.u32 s26, $0x1;
	_ =	strace $0x80000046;
	[dreg:$0x1] =	wrdreg $0xFFFFFFFF  }
0xa8: {  	s28 =	simm.s32 $_size_execute0_lowered;
	s4 =	sadd.s32 s4, s5;
	[dreg:$0x0] =	wrdreg $0x0  }
0xa9: {  	s5 =	sshll.u32 s28, $0x1;
	[dreg:$0x2] =	wrdreg s4  }
0xaa: {  	[dreg:$0x3] =	wrdreg s5  }
0xab: {  	[dreg:$0x4] =	wrdreg $0xC0  }
0xac: {  	_ =	task [dreg:s8], $0x5FFFF  }
0xad: {  	[dreg:$0x1] =	wrdreg $0xFFFFFFFF  }
0xae: {  	[dreg:$0x0] =	wrdreg $0x60  }
0xaf: {  	[dreg:$0x2] =	wrdreg s2  }
0xb0: {  	[dreg:$0x3] =	wrdreg s19  }
0xb1: {  	[dreg:$0x4] =	wrdreg $0x9  }
0xb2: {  	_ =	task.clear_ibuf [dreg:s8], $0x5FFFF;
	_ =	strace $0x90000046  }
0xb3: {  	s29 =	simm.s32 $0x9;
	_ =	strace $0x80000048  }
0xb4: {  	_ =	swait.ge [sflag:s29], $0x1  }
0xb5: {  	[sflag:s29] =	ssyncadd.s32 $0xFFFFFFFF  }
0xb6: {  	_ =	strace $0x90000048  }
0xb7: {  	_ =	sfence  }
0xb8: {  	s30 =	sld [smem:$0x0];
	_ =	sdelay $0x2  }
0xb9: {  	s31 =	sshll.u32 s1, $0xD;
	s1 =	sshrl.u32 s1, $0x2  }
0xba: {  	s3 =	sand.u32 $0x4000, s31;
	s1 =	sadd.s32 s1, s30  }
0xbb: {  	s0 =	sor.u32 s3, s0;
	s1 =	sshll.u32 s1, $0x11  }
0xbc: {  	s0 =	sor.u32 s1, s0  }
0xbd: {  	s0 =	sadd.s32 $0x8F2B, s0  }
0xbe: {  	[sflag:s0] =	ssyncadd.remote.s32 $0x1  }
0xbf: {  	_ =	sfence.sel $0xFFFF  }
0xc0: {  	[dreg:$0x0] =	wrdreg $0xFFFFFFFF;
	(pc) =	sbr.abs _section_cstart, $3  }
0xc1: {  	[dreg:$0x1] =	wrdreg $0xFFFFFFFF  }
0xc2: {  	_ =	task.clear_ibuf [dreg:s8], $0x2FFFF;
	_ =	strace $0x9FFFFFFF  }
0xc3: {  	(tm) =	ssettm $0x7FFFFFFF  }
tec
execute0_lowered:
.L_overlay_start_1:
0x0: {  	(tag) =	ssettag $0x1  }
0x1: {  	s5 =	rddreg [dreg:$0x0]  }
0x2: {  	s1 =	rddreg [dreg:$0x1]  }
0x3: {  	s0 =	rddreg [dreg:$0x2]  }
0x4: {  	s3 =	simm.s32 $0x0;
	s4 =	srdreg.scid;
	s2 =	stileid.u32  }
0x5: {  	s11 =	simm.s32 $0x400;
	s12 =	simm.s32 $0x80000;
	s13 =	simm.s32 $0x4000  }
0x6: {  	v1 =	vlaneseq.u32;
	s14 =	simm.s32 $0x1;
	s15 =	simm.s32 $0x8000;
	s16 =	simm.s32 $0x2  }
0x7: {  	s17 =	simm.s32 $0xC000;
	s18 =	simm.s32 $0x3;
	s19 =	simm.s32 $0x4;
	v0 =	vmul.u32 $0x4, v1;
	v1 =	vmul.u32 $0x200, v1  }
0x8: {  	[smem:$0x7FF] =	sst s3;
	s4 =	sand.u32 $0x1, s4;
	s7 =	sshll.u32 s2, $0xC  }
.Ltmp0:
0x9: {  	s6 =	ssub.s32 $0x2, s4;
	s4 =	sshll.u32 s4, $0xB;
	v2 =	vor.u32 $0x80, v1;
	v3 =	vor.u32 $0x1, v0;
	(pc) =	sbr.rel .LBB2_1-.Ltmp0, $4  }
0xa: {  	s20 =	simm.s32 $0x0;
	_ =	strace $0x80000047;
	s4 =	sor.u32 s4, s7;
	v4 =	vor.u32 $0x100, v1;
	v5 =	vor.u32 $0x2, v0;
	v6 =	vor.u32 $0x180, v1  }
0xb: {  	s8 =	sshrl.u32 s6, $0x1;
	v7 =	vor.u32 $0x3, v0;
	v8 =	vor.u32 $0x2000, v1;
	v9 =	vor.u32 $0x40, v0;
	s5 =	sadd.s32 s5, s4;
	s7 =	sshll.u32 s4, $0x4  }
0xc: {  	v10 =	vor.u32 $0x2080, v1;
	v11 =	vor.u32 $0x41, v0;
	v12 =	vor.u32 $0x2100, v1;
	s10 =	ssub.s32 s6, s8;
	s6 =	sadd.s32 $0x80, s5;
	s7 =	sadd.s32 s1, s7  }
0xd: {  	v13 =	vor.u32 $0x42, v0;
	v14 =	vor.u32 $0x2180, v1;
	v15 =	vor.u32 $0x43, v0;
	s8 =	sadd.s32 $0x100, s5;
	s9 =	sadd.s32 $0x180, s5;
	s10 =	smax.u32 s10, $0x1  }
.LBB2_12:
0xe: {  	s20 =	sadd.s32 $0x1, s20  }
0xf: {  	_ =	swait.ge [sflag:s18], $0x4000;
	p0 =	sne.s32 s20, s10  }
.Ltmp1:
0x10: {  	[sflag:s18] =	ssyncset.done $0x0;
	(pc) =	sbr.rel @!p0 .LBB2_13-.Ltmp1, $4  }
0x11: {  	[sflag:s18] =	ssyncadd.s32 $0xFFFFC000  }
0x12: {  	_ =	swait.ge [sflag:s19], $0x4000  }
0x13: {  	[sflag:s19] =	ssyncset.done $0x0  }
0x14: {  	[sflag:s19] =	ssyncadd.s32 $0xFFFFC000  }
.LBB2_1:
0x15: {  	[tilespmem:s3], [sflag:$0x1] =	stream.strided.gather [hbm4b:s5+s11], $0x4000, s12, s11, $0x38;
	[tilespmem:$0x10000] =	vst v63  }
0x16: {  	s21 =	simm.s32 $0x0  }
0x17: {  	[tilespmem:s13], [sflag:$0x2] =	stream.strided.gather [hbm4b:s6+s11], $0x4000, s12, s11, $0x38;
	[tilespmem:$0x10000] =	vst v63  }
.LBB2_2:
0x18: {  	s24 =	simm.s32 $0x0  }
0x19: {  	s22 =	sand.u32 $0x3F, s24  }
0x1a: {  	s22 =	sadd.s32 $0x1, s22  }
0x1b: {  	s23 =	sshrl.u32 s22, $0x2  }
0x1c: {  	v16 =	vmov s23  }
0x1d: {  	s25 =	simm.s32 $0x0;
	s22 =	sand.u32 $0x7C, s22;
	v16 =	vshll.u32 v16, $0x2  }
0x1e: {  	v17 =	vmov s25;
	s22 =	ssub.s32 $0x0, s22;
	v16 =	vadd.s32 v0, v16  }
0x1f: {  	v17 =	vshll.u32 v17, $0x2;
	s22 =	sadd.s32 $0x1, s22;
	v16 =	vand.u32 $0x3C, v16  }
0x20: {  	_ =	swait.ge [sflag:s14], $0x4000;
	v17 =	vadd.s32 v0, v17;
	v23 =	vadd.s32 s22, v16  }
0x21: {  	p0 =	seq.s32 s21, $0x0;
	[sflag:s14] =	ssyncset.done $0x0;
	s26 =	sand.u32 $0x42, s24;
	v16 =	vand.u32 $0x3C, v17;
	v17 =	vadd.s32 v1, v23  }
0x22: {  	[sflag:s14] =	ssyncadd.s32 $0xFFFFC000;
	s23 =	simm.s32 @!p0 $0x3;
	v24 =	vor.u32 s26, v16  }
0x23: {  	s25 =	simm.s32 $0x2;
	_ =	swait.ge @!p0 [sflag:s23], $0x4000;
	v16 =	vor.u32 v1, v24  }
0x24: {  	s30 =	sand.u32 $0x3F, s25;
	[sflag:s23] =	ssyncset.done @!p0 $0x0  }
0x25: {  	[sflag:s23] =	ssyncadd.s32 @!p0 $0xFFFFC000;
	s22 =	sadd.s32 $0x1, s30;
	v21 =	vshll.u32 v23, $0x7;
	s26 =	simm.s32 $0x0  }
0x26: {  	s31 =	sshrl.u32 s22, $0x2;
	v20 =	vadd.s32 v2, v23;
	v19 =	vor.u32 v0, v21;
	v25 =	vmov s26;
	v18 =	vld.idx.msk [tilespmem:v17+s24+$0x0], $0xffff  }
0x27: {  	v22 =	vshll.u32 v24, $0x7;
	v25 =	vshll.u32 v25, $0x2;
	v17 =	vmov s31  }
0x28: {  	s22 =	sand.u32 $0x7C, s22;
	v26 =	vor.u32 v0, v22;
	v25 =	vadd.s32 v0, v25;
	v17 =	vshll.u32 v17, $0x2;
	v16 =	vld.idx.msk [tilespmem:v16+s24+$0x0], $0xffff  }
0x29: {  	s30 =	sand.u32 $0x42, s25;
	s22 =	ssub.s32 $0x2, s22;
	v27 =	vor.u32 v2, v24;
	v25 =	vand.u32 $0x3C, v25;
	v17 =	vadd.s32 v0, v17  }
0x2a: {  	s22 =	sadd.s32 $0x1, s22;
	v25 =	vor.u32 s30, v25;
	v17 =	vand.u32 $0x3C, v17  }
0x2b: {  	v28 =	vor.u32 v1, v25;
	v17 =	vadd.s32 s22, v17;
	[tilespmem:v19+s15+$0x0] =	vst.idx.msk $0xffff, v18  }
0x2c: {  	v29 =	vor.u32 v3, v21;
	v19 =	vadd.s32 v1, v17;
	v20 =	vld.idx.msk [tilespmem:v20+s24+$0x0], $0xffff  }
0x2d: {  	s31 =	simm.s32 $0x4;
	[tilespmem:v26+s15+$0x0] =	vst.idx.msk $0xffff, v16;
	v26 =	vadd.s32 v4, v23  }
0x2e: {  	v30 =	vor.u32 v3, v22;
	s25 =	sand.u32 $0x3F, s31;
	v27 =	vld.idx.msk [tilespmem:v27+s24+$0x0], $0xffff  }
0x2f: {  	v60 =	vadd.s32 v6, v23;
	v32 =	vor.u32 v4, v24;
	s23 =	sadd.s32 $0x1, s25  }
0x30: {  	v35 =	vor.u32 v2, v25;
	s26 =	sshrl.u32 s23, $0x2;
	v18 =	vshll.u32 v25, $0x7;
	v16 =	vshll.u32 v17, $0x7;
	v34 =	vld.idx.msk [tilespmem:v28+s24+$0x0], $0xffff  }
0x31: {  	s30 =	simm.s32 $0x1;
	v33 =	vadd.s32 v2, v17;
	v36 =	vor.u32 v0, v16;
	v19 =	vld.idx.msk [tilespmem:v19+s24+$0x0], $0xffff;
	[tilespmem:v29+s15+$0x0] =	vst.idx.msk $0xffff, v20;
	v20 =	vmov s26  }
0x32: {  	s23 =	sand.u32 $0x7C, s23;
	v28 =	vmov s30;
	v29 =	vor.u32 v0, v18;
	v37 =	vld.idx.msk [tilespmem:v26+s24+$0x0], $0xffff;
	v20 =	vshll.u32 v20, $0x2  }
0x33: {  	s23 =	ssub.s32 $0x4, s23;
	v26 =	vshll.u32 v28, $0x2;
	[tilespmem:v30+s15+$0x0] =	vst.idx.msk $0xffff, v27;
	v27 =	vor.u32 v5, v21;
	v20 =	vadd.s32 v0, v20  }
0x34: {  	v31 =	vor.u32 v5, v22;
	s25 =	sadd.s32 $0x1, s23;
	v28 =	vadd.s32 v0, v26;
	v30 =	vld.idx.msk [tilespmem:v32+s24+$0x0], $0xffff;
	v26 =	vand.u32 $0x3C, v20  }
0x35: {  	v39 =	vor.u32 v6, v24;
	s22 =	sand.u32 $0x42, s31;
	v20 =	vand.u32 $0x3C, v28;
	v28 =	vadd.s32 s25, v26  }
0x36: {  	v44 =	vor.u32 v7, v21;
	v20 =	vor.u32 s22, v20;
	[tilespmem:v36+s15+$0x0] =	vst.idx.msk $0xffff, v19;
	v61 =	vadd.s32 v1, v28  }
0x37: {  	v62 =	vor.u32 v3, v16;
	v41 =	vor.u32 v1, v20;
	v33 =	vld.idx.msk [tilespmem:v33+s24+$0x0], $0xffff;
	[tilespmem:v29+s15+$0x0] =	vst.idx.msk $0xffff, v34  }
0x38: {  	v38 =	vor.u32 v7, v22;
	v63 =	vadd.s32 v4, v17;
	v42 =	vld.idx.msk [tilespmem:v35+s24+$0x0], $0xffff;
	[tilespmem:v27+s15+$0x0] =	vst.idx.msk $0xffff, v37  }
0x39: {  	s23 =	simm.s32 $0x6;
	v43 =	vor.u32 v3, v18;
	v29 =	vor.u32 v5, v18;
	[tilespmem:v31+s15+$0x0] =	vst.idx.msk $0xffff, v30;
	v40 =	vld.idx.msk [tilespmem:v60+s24+$0x0], $0xffff  }
0x3a: {  	s31 =	sand.u32 $0x3F, s23;
	v19 =	vshll.u32 v20, $0x7;
	v45 =	vadd.s32 v2, v28;
	v37 =	vor.u32 v4, v25;
	v39 =	vld.idx.msk [tilespmem:v39+s24+$0x0], $0xffff  }
0x3b: {  	s28 =	simm.s32 $0x1;
	s26 =	sadd.s32 $0x1, s31;
	v36 =	vmovc v17;
	v46 =	vor.u32 v2, v20;
	v27 =	vshll.u32 v28, $0x7;
	v50 =	vor.u32 v0, v19;
	v47 =	vld.idx.msk [tilespmem:v61+s24+$0x0], $0xffff  }
0x3c: {  	v51 =	vmov s28;
	s28 =	simm.s32 $0x6;
	s29 =	sshrl.u32 s26, $0x2;
	s30 =	sand.u32 $0x7C, s26;
	v34 =	vmovc v18;
	v32 =	vmov v19;
	v49 =	vor.u32 v0, v27;
	v48 =	vld.idx.msk [tilespmem:v41+s24+$0x0], $0xffff;
	[tilespmem:v62+s15+$0x0] =	vst.idx.msk $0xffff, v33  }
0x3d: {  	s26 =	simm.s32 $0x8;
	v52 =	vmov s29;
	s29 =	ssub.s32 $0x6, s30;
	s22 =	sshll.u32 s21, $0x8;
	v35 =	vmovc v20;
	v30 =	vor.u32 v5, v19;
	v31 =	vor.u32 v6, v25;
	v33 =	vmovc v16;
	v41 =	vld.idx.msk [tilespmem:v63+s24+$0x0], $0xffff  }
.LBB2_3:
0x3e: {  	p1 =	slt.u32 s26, $0x7E;
	v51 =	vshll.u32 v51, $0x2;
	v52 =	vshll.u32 v52, $0x2;
	[tilespmem:v43+s15+$0x0] =	vst.idx.msk $0xffff, v42;
	v53 =	vor.u32 v5, v33;
	s30 =	smov.u32 s26;
	s26 =	sadd.s32 $0x2, s26  }
0x3f: {  	v42 =	vadd.s32 v0, v51;
	v43 =	vadd.s32 v0, v52;
	v51 =	vld.idx.msk [tilespmem:v37+s24+$0x0], $0xffff;
	[tilespmem:v44+s15+$0x0] =	vst.idx.msk $0xffff, v40  }
0x40: {  	s31 =	sand.u32 $0x42, s28;
	s29 =	sadd.s32 $0x1, s29;
	v44 =	vadd.s32 v6, v36;
	v36 =	vmovc v28;
	s28 =	smov.u32 s30;
	v37 =	vand.u32 $0x3C, v42;
	v40 =	vand.u32 $0x3C, v43;
	[tilespmem:v38+s15+$0x0] =	vst.idx.msk $0xffff, v39  }
0x41: {  	v52 =	vor.u32 s31, v37;
	v28 =	vadd.s32 s29, v40;
	[tilespmem:v49+s15+$0x0] =	vst.idx.msk $0xffff, v47  }
0x42: {  	v49 =	vor.u32 v1, v52;
	v47 =	vadd.s32 v1, v28;
	v54 =	vshll.u32 v28, $0x7;
	v55 =	vld.idx.msk [tilespmem:v45+s24+$0x0], $0xffff  }
0x43: {  	v43 =	vor.u32 v3, v32;
	v45 =	vshll.u32 v52, $0x7;
	[tilespmem:v50+s15+$0x0] =	vst.idx.msk $0xffff, v48;
	v50 =	vor.u32 v3, v27  }
0x44: {  	v56 =	vadd.s32 v4, v36;
	v37 =	vor.u32 v4, v35;
	v42 =	vld.idx.msk [tilespmem:v46+s24+$0x0], $0xffff;
	[tilespmem:v53+s15+$0x0] =	vst.idx.msk $0xffff, v41  }
.Ltmp2:
0x45: {  	v38 =	vor.u32 v7, v34;
	v53 =	vor.u32 v5, v45;
	[tilespmem:v29+s15+$0x0] =	vst.idx.msk $0xffff, v51;
	v40 =	vld.idx.msk [tilespmem:v44+s24+$0x0], $0xffff;
	(pc) =	sbr.rel @p1 .LBB2_3-.Ltmp2, $4  }
0x46: {  	v34 =	vmovc v32;
	s29 =	sand.u32 $0x3F, s28;
	v32 =	vmovc v45;
	v44 =	vor.u32 v7, v33;
	v33 =	vmov v27;
	v27 =	vmov v54;
	v39 =	vld.idx.msk [tilespmem:v31+s24+$0x0], $0xffff  }
0x47: {  	s29 =	sadd.s32 $0x1, s29;
	v45 =	vadd.s32 v2, v28;
	v29 =	vmovc v30;
	v31 =	vor.u32 v6, v35;
	v35 =	vmov v52;
	v47 =	vld.idx.msk [tilespmem:v47+s24+$0x0], $0xffff  }
0x48: {  	s30 =	sshrl.u32 s28, $0x2;
	s31 =	sshrl.u32 s29, $0x2;
	s29 =	sand.u32 $0x7C, s29;
	v46 =	vor.u32 v2, v35;
	v48 =	vld.idx.msk [tilespmem:v49+s24+$0x0], $0xffff;
	v49 =	vor.u32 v0, v27;
	[tilespmem:v50+s15+$0x0] =	vst.idx.msk $0xffff, v55  }
0x49: {  	s29 =	ssub.s32 s28, s29;
	v51 =	vmov s30;
	v30 =	vmovc v53;
	v52 =	vmov s31;
	v50 =	vor.u32 v0, v32;
	v41 =	vld.idx.msk [tilespmem:v56+s24+$0x0], $0xffff  }
0x4a: {  	v52 =	vshll.u32 v52, $0x2  }
0x4b: {  	v51 =	vshll.u32 v51, $0x2;
	v52 =	vadd.s32 v0, v52  }
0x4c: {  	s26 =	sadd.s32 $0x1, s29;
	v51 =	vadd.s32 v0, v51;
	v52 =	vand.u32 $0x3C, v52  }
0x4d: {  	s28 =	sand.u32 $0x42, s28;
	v51 =	vand.u32 $0x3C, v51;
	v52 =	vadd.s32 s26, v52  }
0x4e: {  	v51 =	vor.u32 s28, v51;
	v53 =	vadd.s32 v1, v52  }
0x4f: {  	v54 =	vor.u32 v1, v51;
	_ =	sdelay $0x2  }
0x50: {  	v55 =	vshll.u32 v52, $0x7  }
0x51: {  	v56 =	vshll.u32 v51, $0x7;
	v57 =	vor.u32 v0, v55;
	v53 =	vld.idx.msk [tilespmem:v53+s24+$0x0], $0xffff  }
0x52: {  	v58 =	vadd.s32 v2, v52;
	v59 =	vor.u32 v0, v56;
	v54 =	vld.idx.msk [tilespmem:v54+s24+$0x0], $0xffff  }
0x53: {  	[tilespmem:v43+s15+$0x0] =	vst.idx.msk $0xffff, v42;
	v63 =	vor.u32 v2, v51  }
0x54: {  	[tilespmem:v49+s15+$0x0] =	vst.idx.msk $0xffff, v47  }
0x55: {  	[tilespmem:v50+s15+$0x0] =	vst.idx.msk $0xffff, v48;
	v43 =	vld.idx.msk [tilespmem:v45+s24+$0x0], $0xffff;
	v45 =	vor.u32 v3, v27  }
0x56: {  	v47 =	vor.u32 v3, v32;
	v48 =	vadd.s32 v4, v28;
	v46 =	vld.idx.msk [tilespmem:v46+s24+$0x0], $0xffff;
	[tilespmem:v57+s15+$0x0] =	vst.idx.msk $0xffff, v53  }
0x57: {  	v61 =	vor.u32 v3, v55;
	[tilespmem:v59+s15+$0x0] =	vst.idx.msk $0xffff, v54;
	v59 =	vor.u32 v4, v35;
	v60 =	vld.idx.msk [tilespmem:v58+s24+$0x0], $0xffff  }
0x58: {  	[tilespmem:v44+s15+$0x0] =	vst.idx.msk $0xffff, v40;
	v62 =	vor.u32 v3, v56;
	v42 =	vld.idx.msk [tilespmem:v63+s24+$0x0], $0xffff;
	v63 =	vadd.s32 v4, v52  }
0x59: {  	[tilespmem:v38+s15+$0x0] =	vst.idx.msk $0xffff, v39;
	v54 =	vor.u32 v5, v33;
	v57 =	vor.u32 v4, v51  }
0x5a: {  	v36 =	vadd.s32 v6, v36;
	v37 =	vld.idx.msk [tilespmem:v37+s24+$0x0], $0xffff;
	[tilespmem:v45+s15+$0x0] =	vst.idx.msk $0xffff, v43  }
0x5b: {  	[tilespmem:v47+s15+$0x0] =	vst.idx.msk $0xffff, v46;
	v43 =	vld.idx.msk [tilespmem:v48+s24+$0x0], $0xffff;
	v58 =	vor.u32 v5, v27  }
0x5c: {  	v28 =	vadd.s32 v6, v28;
	v46 =	vld.idx.msk [tilespmem:v59+s24+$0x0], $0xffff;
	[tilespmem:v61+s15+$0x0] =	vst.idx.msk $0xffff, v60  }
0x5d: {  	v59 =	vor.u32 v6, v35;
	[tilespmem:v62+s15+$0x0] =	vst.idx.msk $0xffff, v42;
	v60 =	vor.u32 v5, v55;
	v44 =	vld.idx.msk [tilespmem:v63+s24+$0x0], $0xffff  }
0x5e: {  	[tilespmem:v54+s15+$0x0] =	vst.idx.msk $0xffff, v41;
	v61 =	vor.u32 v5, v56;
	v62 =	vadd.s32 v6, v52;
	v39 =	vld.idx.msk [tilespmem:v57+s24+$0x0], $0xffff  }
0x5f: {  	[tilespmem:v29+s15+$0x0] =	vst.idx.msk $0xffff, v37;
	v29 =	vld.idx.msk [tilespmem:v36+s24+$0x0], $0xffff;
	v42 =	vor.u32 v6, v51;
	v63 =	vor.u32 v7, v33  }
0x60: {  	v34 =	vor.u32 v7, v34;
	v31 =	vld.idx.msk [tilespmem:v31+s24+$0x0], $0xffff;
	[tilespmem:v58+s15+$0x0] =	vst.idx.msk $0xffff, v43  }
0x61: {  	v27 =	vor.u32 v7, v27;
	v28 =	vld.idx.msk [tilespmem:v28+s24+$0x0], $0xffff;
	[tilespmem:v30+s15+$0x0] =	vst.idx.msk $0xffff, v46  }
0x62: {  	v30 =	vor.u32 v7, v32;
	v46 =	vld.idx.msk [tilespmem:v59+s24+$0x0], $0xffff;
	[tilespmem:v60+s15+$0x0] =	vst.idx.msk $0xffff, v44  }
0x63: {  	v48 =	vor.u32 v7, v55;
	[tilespmem:v61+s15+$0x0] =	vst.idx.msk $0xffff, v39;
	v47 =	vld.idx.msk [tilespmem:v62+s24+$0x0], $0xffff  }
0x64: {  	[tilespmem:v63+s15+$0x0] =	vst.idx.msk $0xffff, v29;
	v29 =	vor.u32 v7, v56;
	v49 =	vld.idx.msk [tilespmem:v42+s24+$0x0], $0xffff  }
0x65: {  	[tilespmem:v34+s15+$0x0] =	vst.idx.msk $0xffff, v31;
	v31 =	vadd.s32 v8, v23  }
0x66: {  	[tilespmem:v27+s15+$0x0] =	vst.idx.msk $0xffff, v28  }
0x67: {  	v27 =	vor.u32 v8, v24;
	[tilespmem:v30+s15+$0x0] =	vst.idx.msk $0xffff, v46  }
0x68: {  	[tilespmem:v48+s15+$0x0] =	vst.idx.msk $0xffff, v47  }
0x69: {  	[tilespmem:v29+s15+$0x0] =	vst.idx.msk $0xffff, v49  }
0x6a: {  	v29 =	vor.u32 v9, v21;
	v28 =	vld.idx.msk [tilespmem:v31+s3+$0x0], $0xffff;
	_ =	sdelay $0x1  }
0x6b: {  	v30 =	vadd.s32 v10, v23;
	v27 =	vld.idx.msk [tilespmem:v27+s3+$0x0], $0xffff;
	v31 =	vor.u32 v9, v22  }
0x6c: {  	v50 =	vor.u32 v10, v24;
	_ =	sdelay $0x1  }
0x6d: {  	[tilespmem:v29+s15+$0x0] =	vst.idx.msk $0xffff, v28;
	v28 =	vadd.s32 v8, v17;
	_ =	sdelay $0x1  }
0x6e: {  	v29 =	vor.u32 v8, v25;
	[tilespmem:v31+s15+$0x0] =	vst.idx.msk $0xffff, v27;
	v27 =	vor.u32 v11, v21;
	v30 =	vld.idx.msk [tilespmem:v30+s3+$0x0], $0xffff  }
0x6f: {  	v51 =	vadd.s32 v12, v23;
	v31 =	vor.u32 v11, v22;
	v32 =	vld.idx.msk [tilespmem:v50+s3+$0x0], $0xffff  }
0x70: {  	v52 =	vor.u32 v12, v24  }
0x71: {  	v53 =	vor.u32 v9, v16;
	v28 =	vld.idx.msk [tilespmem:v28+s3+$0x0], $0xffff  }
0x72: {  	v54 =	vadd.s32 v10, v17;
	v58 =	vor.u32 v14, v24;
	v24 =	vadd.s32 s25, v26  }
0x73: {  	v59 =	vadd.s32 v8, v24;
	v29 =	vld.idx.msk [tilespmem:v29+s3+$0x0], $0xffff;
	[tilespmem:v27+s15+$0x0] =	vst.idx.msk $0xffff, v30;
	v27 =	vor.u32 v9, v18  }
0x74: {  	v55 =	vor.u32 v13, v21;
	v30 =	vor.u32 v10, v25;
	[tilespmem:v31+s15+$0x0] =	vst.idx.msk $0xffff, v32;
	v33 =	vld.idx.msk [tilespmem:v51+s3+$0x0], $0xffff  }
0x75: {  	v57 =	vadd.s32 v14, v23;
	v56 =	vor.u32 v13, v22;
	v34 =	vld.idx.msk [tilespmem:v52+s3+$0x0], $0xffff  }
0x76: {  	[tilespmem:v53+s15+$0x0] =	vst.idx.msk $0xffff, v28  }
0x77: {  	v60 =	vor.u32 v8, v20;
	v62 =	vor.u32 v11, v16;
	v61 =	vld.idx.msk [tilespmem:v54+s3+$0x0], $0xffff  }
0x78: {  	v63 =	vadd.s32 v12, v17;
	v35 =	vld.idx.msk [tilespmem:v59+s3+$0x0], $0xffff;
	[tilespmem:v27+s15+$0x0] =	vst.idx.msk $0xffff, v29  }
0x79: {  	s29 =	simm.s32 $0x1;
	s28 =	sand.u32 $0x3F, s23;
	v36 =	vor.u32 v10, v20;
	v32 =	vor.u32 v11, v18;
	v31 =	vld.idx.msk [tilespmem:v30+s3+$0x0], $0xffff;
	[tilespmem:v55+s15+$0x0] =	vst.idx.msk $0xffff, v33  }
0x7a: {  	v40 =	vmov s29;
	s24 =	sadd.s32 $0x1, s28;
	v28 =	vor.u32 v12, v25;
	[tilespmem:v56+s15+$0x0] =	vst.idx.msk $0xffff, v34;
	v33 =	vor.u32 v15, v21;
	v30 =	vld.idx.msk [tilespmem:v57+s3+$0x0], $0xffff  }
0x7b: {  	v26 =	vor.u32 v13, v18;
	s30 =	sshrl.u32 s24, $0x2;
	v23 =	vshll.u32 v24, $0x7;
	v22 =	vor.u32 v15, v22;
	v29 =	vld.idx.msk [tilespmem:v58+s3+$0x0], $0xffff  }
0x7c: {  	v39 =	vor.u32 v9, v19;
	s31 =	sand.u32 $0x7C, s24;
	v41 =	vmov s30;
	v38 =	vor.u32 v9, v23;
	v37 =	vld.idx.msk [tilespmem:v60+s3+$0x0], $0xffff;
	[tilespmem:v62+s15+$0x0] =	vst.idx.msk $0xffff, v61  }
0x7d: {  	s24 =	simm.s32 $0x8;
	s25 =	ssub.s32 $0x6, s31;
	v27 =	vor.u32 v13, v19;
	v34 =	vadd.s32 v10, v24;
	v21 =	vor.u32 v14, v25;
	v25 =	vld.idx.msk [tilespmem:v63+s3+$0x0], $0xffff  }
.LBB2_5:
0x7e: {  	p1 =	slt.u32 s24, $0x7E;
	v40 =	vshll.u32 v40, $0x2;
	v41 =	vshll.u32 v41, $0x2;
	[tilespmem:v32+s15+$0x0] =	vst.idx.msk $0xffff, v31;
	v42 =	vor.u32 v13, v16;
	s26 =	smov.u32 s24;
	s24 =	sadd.s32 $0x2, s24  }
0x7f: {  	v31 =	vadd.s32 v0, v40;
	v32 =	vadd.s32 v0, v41;
	v40 =	vld.idx.msk [tilespmem:v28+s3+$0x0], $0xffff;
	[tilespmem:v33+s15+$0x0] =	vst.idx.msk $0xffff, v30  }
0x80: {  	s28 =	sand.u32 $0x42, s23;
	s25 =	sadd.s32 $0x1, s25;
	v33 =	vadd.s32 v14, v17;
	v17 =	vmovc v24;
	s23 =	smov.u32 s26;
	v28 =	vand.u32 $0x3C, v31;
	v30 =	vand.u32 $0x3C, v32;
	[tilespmem:v22+s15+$0x0] =	vst.idx.msk $0xffff, v29  }
0x81: {  	v41 =	vor.u32 s28, v28;
	v24 =	vadd.s32 s25, v30;
	[tilespmem:v38+s15+$0x0] =	vst.idx.msk $0xffff, v35  }
0x82: {  	v38 =	vor.u32 v8, v41;
	v35 =	vadd.s32 v8, v24;
	v43 =	vshll.u32 v24, $0x7;
	v44 =	vld.idx.msk [tilespmem:v34+s3+$0x0], $0xffff  }
0x83: {  	v32 =	vor.u32 v11, v19;
	v34 =	vshll.u32 v41, $0x7;
	[tilespmem:v39+s15+$0x0] =	vst.idx.msk $0xffff, v37;
	v39 =	vor.u32 v11, v23  }
0x84: {  	v45 =	vadd.s32 v12, v17;
	v28 =	vor.u32 v12, v20;
	v31 =	vld.idx.msk [tilespmem:v36+s3+$0x0], $0xffff;
	[tilespmem:v42+s15+$0x0] =	vst.idx.msk $0xffff, v25  }
.Ltmp3:
0x85: {  	v22 =	vor.u32 v15, v18;
	v42 =	vor.u32 v13, v34;
	[tilespmem:v26+s15+$0x0] =	vst.idx.msk $0xffff, v40;
	v30 =	vld.idx.msk [tilespmem:v33+s3+$0x0], $0xffff;
	(pc) =	sbr.rel @p1 .LBB2_5-.Ltmp3, $4  }
0x86: {  	v18 =	vmovc v19;
	s25 =	sand.u32 $0x3F, s23;
	v19 =	vmovc v34;
	v33 =	vor.u32 v15, v16;
	v16 =	vmov v23;
	v23 =	vmov v43;
	v29 =	vld.idx.msk [tilespmem:v21+s3+$0x0], $0xffff  }
0x87: {  	s25 =	sadd.s32 $0x1, s25;
	v34 =	vadd.s32 v10, v24;
	v26 =	vmovc v27;
	v21 =	vor.u32 v14, v20;
	v20 =	vmov v41;
	v35 =	vld.idx.msk [tilespmem:v35+s3+$0x0], $0xffff  }
0x88: {  	s26 =	sshrl.u32 s23, $0x2;
	s28 =	sshrl.u32 s25, $0x2;
	s25 =	sand.u32 $0x7C, s25;
	v36 =	vor.u32 v10, v20;
	v37 =	vld.idx.msk [tilespmem:v38+s3+$0x0], $0xffff;
	v38 =	vor.u32 v9, v23;
	[tilespmem:v39+s15+$0x0] =	vst.idx.msk $0xffff, v44  }
0x89: {  	s25 =	ssub.s32 s23, s25;
	v40 =	vmov s26;
	v27 =	vmovc v42;
	v41 =	vmov s28;
	v39 =	vor.u32 v9, v19;
	v25 =	vld.idx.msk [tilespmem:v45+s3+$0x0], $0xffff  }
0x8a: {  	v41 =	vshll.u32 v41, $0x2  }
0x8b: {  	v40 =	vshll.u32 v40, $0x2;
	v41 =	vadd.s32 v0, v41  }
0x8c: {  	s24 =	sadd.s32 $0x1, s25;
	v40 =	vadd.s32 v0, v40;
	v41 =	vand.u32 $0x3C, v41  }
0x8d: {  	s23 =	sand.u32 $0x42, s23;
	v40 =	vand.u32 $0x3C, v40;
	v41 =	vadd.s32 s24, v41  }
0x8e: {  	v40 =	vor.u32 s23, v40;
	v42 =	vadd.s32 v8, v41  }
0x8f: {  	v43 =	vor.u32 v8, v40;
	_ =	sdelay $0x2  }
0x90: {  	v44 =	vshll.u32 v41, $0x7  }
0x91: {  	v45 =	vshll.u32 v40, $0x7;
	v46 =	vor.u32 v9, v44;
	v42 =	vld.idx.msk [tilespmem:v42+s3+$0x0], $0xffff  }
0x92: {  	v47 =	vadd.s32 v10, v41;
	v48 =	vor.u32 v9, v45;
	v43 =	vld.idx.msk [tilespmem:v43+s3+$0x0], $0xffff  }
0x93: {  	[tilespmem:v32+s15+$0x0] =	vst.idx.msk $0xffff, v31;
	v31 =	vor.u32 v10, v40  }
0x94: {  	[tilespmem:v38+s15+$0x0] =	vst.idx.msk $0xffff, v35  }
0x95: {  	v60 =	vor.u32 v11, v23;
	v59 =	vld.idx.msk [tilespmem:v34+s3+$0x0], $0xffff;
	[tilespmem:v39+s15+$0x0] =	vst.idx.msk $0xffff, v37  }
0x96: {  	v61 =	vor.u32 v11, v19;
	v62 =	vadd.s32 v12, v24;
	v36 =	vld.idx.msk [tilespmem:v36+s3+$0x0], $0xffff;
	[tilespmem:v46+s15+$0x0] =	vst.idx.msk $0xffff, v42  }
0x97: {  	v63 =	vor.u32 v12, v20;
	[tilespmem:v48+s15+$0x0] =	vst.idx.msk $0xffff, v43;
	v46 =	vld.idx.msk [tilespmem:v47+s3+$0x0], $0xffff;
	v47 =	vor.u32 v11, v44  }
0x98: {  	[tilespmem:v33+s15+$0x0] =	vst.idx.msk $0xffff, v30;
	v30 =	vor.u32 v11, v45;
	v48 =	vadd.s32 v12, v41;
	v31 =	vld.idx.msk [tilespmem:v31+s3+$0x0], $0xffff  }
0x99: {  	v49 =	vor.u32 v13, v16;
	[tilespmem:v22+s15+$0x0] =	vst.idx.msk $0xffff, v29;
	v22 =	vor.u32 v12, v40  }
0x9a: {  	v17 =	vadd.s32 v14, v17;
	v28 =	vld.idx.msk [tilespmem:v28+s3+$0x0], $0xffff;
	[tilespmem:v60+s15+$0x0] =	vst.idx.msk $0xffff, v59  }
0x9b: {  	v50 =	vor.u32 v13, v23;
	v29 =	vld.idx.msk [tilespmem:v62+s3+$0x0], $0xffff;
	[tilespmem:v61+s15+$0x0] =	vst.idx.msk $0xffff, v36  }
0x9c: {  	v24 =	vadd.s32 v14, v24;
	v51 =	vld.idx.msk [tilespmem:v63+s3+$0x0], $0xffff;
	[tilespmem:v47+s15+$0x0] =	vst.idx.msk $0xffff, v46  }
0x9d: {  	v20 =	vor.u32 v14, v20;
	[tilespmem:v30+s15+$0x0] =	vst.idx.msk $0xffff, v31;
	v30 =	vor.u32 v13, v44;
	v33 =	vld.idx.msk [tilespmem:v48+s3+$0x0], $0xffff  }
0x9e: {  	[tilespmem:v49+s15+$0x0] =	vst.idx.msk $0xffff, v25;
	v25 =	vor.u32 v13, v45;
	v31 =	vadd.s32 v14, v41;
	v22 =	vld.idx.msk [tilespmem:v22+s3+$0x0], $0xffff  }
0x9f: {  	v16 =	vor.u32 v15, v16;
	[tilespmem:v26+s15+$0x0] =	vst.idx.msk $0xffff, v28;
	v17 =	vld.idx.msk [tilespmem:v17+s3+$0x0], $0xffff;
	v26 =	vor.u32 v14, v40  }
0xa0: {  	v18 =	vor.u32 v15, v18;
	v21 =	vld.idx.msk [tilespmem:v21+s3+$0x0], $0xffff;
	[tilespmem:v50+s15+$0x0] =	vst.idx.msk $0xffff, v29  }
0xa1: {  	v23 =	vor.u32 v15, v23;
	[tilespmem:v27+s15+$0x0] =	vst.idx.msk $0xffff, v51;
	v24 =	vld.idx.msk [tilespmem:v24+s3+$0x0], $0xffff  }
0xa2: {  	v19 =	vor.u32 v15, v19;
	v20 =	vld.idx.msk [tilespmem:v20+s3+$0x0], $0xffff;
	[tilespmem:v30+s15+$0x0] =	vst.idx.msk $0xffff, v33  }
0xa3: {  	[tilespmem:v25+s15+$0x0] =	vst.idx.msk $0xffff, v22;
	v25 =	vor.u32 v15, v44;
	v22 =	vld.idx.msk [tilespmem:v31+s3+$0x0], $0xffff  }
0xa4: {  	[tilespmem:v16+s15+$0x0] =	vst.idx.msk $0xffff, v17;
	v16 =	vor.u32 v15, v45;
	v17 =	vld.idx.msk [tilespmem:v26+s3+$0x0], $0xffff  }
0xa5: {  	[tilespmem:v18+s15+$0x0] =	vst.idx.msk $0xffff, v21  }
0xa6: {  	[tilespmem:v23+s15+$0x0] =	vst.idx.msk $0xffff, v24  }
0xa7: {  	[tilespmem:v19+s15+$0x0] =	vst.idx.msk $0xffff, v20  }
0xa8: {  	s26 =	sshll.u32 s21, $0xC;
	[tilespmem:v25+s15+$0x0] =	vst.idx.msk $0xffff, v22  }
0xa9: {  	s23 =	sadd.s32 s26, s7;
	[tilespmem:v16+s15+$0x0] =	vst.idx.msk $0xffff, v17  }
0xaa: {  	[hbm4b:s23+s3] =	stream.linear.scatter [tilespmem:s15], [sflag:$0x3], $0x4000, $0x38;
	[tilespmem:$0x10000] =	vst v63  }
0xab: {  	s23 =	simm.s32 $0x0  }
0xac: {  	p1 =	seq.s32 s21, $0x7;
	s30 =	sand.u32 $0x3F, s23  }
0xad: {  	s25 =	sadd.s32 @!p1 s22, s8;
	s28 =	simm.s32 @!p1 $0x80000;
	s24 =	sadd.s32 $0x1, s30  }
0xae: {  	s29 =	simm.s32 @!p1 $0x0;
	s26 =	simm.s32 @!p1 $0x400;
	s30 =	sshrl.u32 s24, $0x2  }
0xaf: {  	[tilespmem:s29], [sflag:$0x1] =	stream.strided.gather @!p1 [hbm4b:s25+s26], $0x4000, s28, s26, $0x38;
	v16 =	vmov s30;
	[tilespmem:$0x10000] =	vst v63  }
0xb0: {  	s31 =	simm.s32 $0x0;
	s24 =	sand.u32 $0x7C, s24;
	v16 =	vshll.u32 v16, $0x2  }
0xb1: {  	v17 =	vmov s31;
	s24 =	ssub.s32 $0x0, s24;
	v16 =	vadd.s32 v0, v16  }
0xb2: {  	v17 =	vshll.u32 v17, $0x2;
	s24 =	sadd.s32 $0x1, s24;
	v16 =	vand.u32 $0x3C, v16  }
0xb3: {  	v17 =	vadd.s32 v0, v17;
	_ =	swait.ge [sflag:s16], $0x4000;
	v23 =	vadd.s32 s24, v16  }
0xb4: {  	s23 =	sand.u32 $0x42, s23;
	[sflag:s16] =	ssyncset.done $0x0;
	v16 =	vand.u32 $0x3C, v17;
	v17 =	vadd.s32 v1, v23  }
0xb5: {  	[sflag:s16] =	ssyncadd.s32 $0xFFFFC000;
	s24 =	simm.s32 @!p0 $0x4;
	v24 =	vor.u32 s23, v16  }
0xb6: {  	s25 =	simm.s32 $0x2;
	_ =	swait.ge @!p0 [sflag:s24], $0x4000;
	v16 =	vor.u32 v1, v24  }
0xb7: {  	s31 =	simm.s32 $0x0;
	s26 =	sand.u32 $0x3F, s25;
	[sflag:s24] =	ssyncset.done @!p0 $0x0  }
0xb8: {  	v25 =	vmov s31;
	s23 =	sadd.s32 $0x1, s26;
	v21 =	vshll.u32 v23, $0x7;
	[sflag:s24] =	ssyncadd.s32 @!p0 $0xFFFFC000  }
0xb9: {  	v25 =	vshll.u32 v25, $0x2;
	s30 =	sshrl.u32 s23, $0x2;
	v19 =	vor.u32 v0, v21;
	v18 =	vld.idx.msk [tilespmem:v17+s13+$0x0], $0xffff  }
0xba: {  	v20 =	vadd.s32 v2, v23;
	v22 =	vshll.u32 v24, $0x7;
	v17 =	vmov s30  }
0xbb: {  	v25 =	vadd.s32 v0, v25;
	s23 =	sand.u32 $0x7C, s23;
	v26 =	vor.u32 v0, v22;
	v17 =	vshll.u32 v17, $0x2;
	v16 =	vld.idx.msk [tilespmem:v16+s13+$0x0], $0xffff  }
0xbc: {  	v25 =	vand.u32 $0x3C, v25;
	s25 =	sand.u32 $0x42, s25;
	v27 =	vor.u32 v2, v24;
	s23 =	ssub.s32 $0x2, s23;
	v17 =	vadd.s32 v0, v17  }
0xbd: {  	v25 =	vor.u32 s25, v25;
	s23 =	sadd.s32 $0x1, s23;
	v17 =	vand.u32 $0x3C, v17  }
0xbe: {  	v28 =	vor.u32 v1, v25;
	v17 =	vadd.s32 s23, v17;
	[tilespmem:v19+s17+$0x0] =	vst.idx.msk $0xffff, v18  }
0xbf: {  	v29 =	vor.u32 v3, v21;
	v19 =	vadd.s32 v1, v17;
	v20 =	vld.idx.msk [tilespmem:v20+s13+$0x0], $0xffff  }
0xc0: {  	s23 =	simm.s32 $0x4;
	[tilespmem:v26+s17+$0x0] =	vst.idx.msk $0xffff, v16;
	v26 =	vadd.s32 v4, v23  }
0xc1: {  	v30 =	vor.u32 v3, v22;
	s26 =	sand.u32 $0x3F, s23;
	v27 =	vld.idx.msk [tilespmem:v27+s13+$0x0], $0xffff  }
0xc2: {  	s31 =	simm.s32 $0x1;
	v55 =	vor.u32 v2, v25;
	v52 =	vor.u32 v4, v24;
	s24 =	sadd.s32 $0x1, s26  }
0xc3: {  	v58 =	vadd.s32 v6, v23;
	v54 =	vld.idx.msk [tilespmem:v28+s13+$0x0], $0xffff;
	v28 =	vmov s31;
	v16 =	vshll.u32 v17, $0x7;
	s30 =	sshrl.u32 s24, $0x2  }
0xc4: {  	v18 =	vshll.u32 v25, $0x7;
	v56 =	vor.u32 v0, v16;
	v19 =	vld.idx.msk [tilespmem:v19+s13+$0x0], $0xffff;
	[tilespmem:v29+s17+$0x0] =	vst.idx.msk $0xffff, v20;
	v20 =	vmov s30  }
0xc5: {  	v53 =	vadd.s32 v2, v17;
	s24 =	sand.u32 $0x7C, s24;
	v29 =	vor.u32 v0, v18;
	v57 =	vld.idx.msk [tilespmem:v26+s13+$0x0], $0xffff;
	v20 =	vshll.u32 v20, $0x2  }
0xc6: {  	s24 =	ssub.s32 $0x4, s24;
	v26 =	vshll.u32 v28, $0x2;
	[tilespmem:v30+s17+$0x0] =	vst.idx.msk $0xffff, v27;
	v27 =	vor.u32 v5, v21;
	v20 =	vadd.s32 v0, v20  }
0xc7: {  	v31 =	vor.u32 v5, v22;
	s25 =	sadd.s32 $0x1, s24;
	v28 =	vadd.s32 v0, v26;
	v30 =	vld.idx.msk [tilespmem:v52+s13+$0x0], $0xffff;
	v26 =	vand.u32 $0x3C, v20  }
0xc8: {  	v59 =	vor.u32 v6, v24;
	s23 =	sand.u32 $0x42, s23;
	v20 =	vand.u32 $0x3C, v28;
	v28 =	vadd.s32 s25, v26  }
0xc9: {  	v37 =	vor.u32 v4, v25;
	v20 =	vor.u32 s23, v20;
	[tilespmem:v56+s17+$0x0] =	vst.idx.msk $0xffff, v19;
	v60 =	vadd.s32 v1, v28  }
0xca: {  	v62 =	vor.u32 v3, v16;
	v61 =	vor.u32 v1, v20;
	v33 =	vld.idx.msk [tilespmem:v53+s13+$0x0], $0xffff;
	[tilespmem:v29+s17+$0x0] =	vst.idx.msk $0xffff, v54  }
0xcb: {  	v44 =	vor.u32 v7, v21;
	v63 =	vadd.s32 v4, v17;
	v41 =	vld.idx.msk [tilespmem:v55+s13+$0x0], $0xffff;
	[tilespmem:v27+s17+$0x0] =	vst.idx.msk $0xffff, v57  }
0xcc: {  	v38 =	vor.u32 v7, v22;
	v43 =	vor.u32 v3, v18;
	s24 =	simm.s32 $0x6;
	[tilespmem:v31+s17+$0x0] =	vst.idx.msk $0xffff, v30;
	v40 =	vld.idx.msk [tilespmem:v58+s13+$0x0], $0xffff  }
0xcd: {  	v36 =	vmovc v17;
	s26 =	sadd.s32 s22, s4;
	v34 =	vmov v18;
	s30 =	sand.u32 $0x3F, s24;
	v29 =	vor.u32 v5, v18;
	v19 =	vshll.u32 v20, $0x7;
	v39 =	vld.idx.msk [tilespmem:v59+s13+$0x0], $0xffff  }
0xce: {  	s28 =	simm.s32 $0x1;
	s23 =	sadd.s32 $0x80, s26;
	s26 =	sadd.s32 $0x1, s30;
	v45 =	vadd.s32 v2, v28;
	v46 =	vor.u32 v2, v20;
	v35 =	vmovc v20;
	v27 =	vshll.u32 v28, $0x7;
	v47 =	vld.idx.msk [tilespmem:v60+s13+$0x0], $0xffff  }
0xcf: {  	v51 =	vmov s28;
	s29 =	sshrl.u32 s26, $0x2;
	s31 =	sand.u32 $0x7C, s26;
	v50 =	vor.u32 v0, v19;
	v49 =	vor.u32 v0, v27;
	v48 =	vld.idx.msk [tilespmem:v61+s13+$0x0], $0xffff;
	[tilespmem:v62+s17+$0x0] =	vst.idx.msk $0xffff, v33  }
0xd0: {  	s28 =	simm.s32 $0x6;
	s26 =	simm.s32 $0x8;
	v52 =	vmov s29;
	s29 =	ssub.s32 $0x6, s31;
	v32 =	vmovc v19;
	v30 =	vor.u32 v5, v19;
	v31 =	vor.u32 v6, v25;
	v33 =	vmovc v16;
	v42 =	vld.idx.msk [tilespmem:v63+s13+$0x0], $0xffff  }
.LBB2_7:
0xd1: {  	p0 =	slt.u32 s26, $0x7E;
	v51 =	vshll.u32 v51, $0x2;
	v52 =	vshll.u32 v52, $0x2;
	[tilespmem:v43+s17+$0x0] =	vst.idx.msk $0xffff, v41;
	v53 =	vor.u32 v5, v33;
	s30 =	smov.u32 s26;
	s26 =	sadd.s32 $0x2, s26  }
0xd2: {  	v41 =	vadd.s32 v0, v51;
	v43 =	vadd.s32 v0, v52;
	v51 =	vld.idx.msk [tilespmem:v37+s13+$0x0], $0xffff;
	[tilespmem:v44+s17+$0x0] =	vst.idx.msk $0xffff, v40  }
0xd3: {  	s31 =	sand.u32 $0x42, s28;
	s29 =	sadd.s32 $0x1, s29;
	v44 =	vadd.s32 v6, v36;
	v36 =	vmovc v28;
	s28 =	smov.u32 s30;
	v37 =	vand.u32 $0x3C, v41;
	v40 =	vand.u32 $0x3C, v43;
	[tilespmem:v38+s17+$0x0] =	vst.idx.msk $0xffff, v39  }
0xd4: {  	v52 =	vor.u32 s31, v37;
	v28 =	vadd.s32 s29, v40;
	[tilespmem:v49+s17+$0x0] =	vst.idx.msk $0xffff, v47  }
0xd5: {  	v49 =	vor.u32 v1, v52;
	v47 =	vadd.s32 v1, v28;
	v54 =	vshll.u32 v28, $0x7;
	v55 =	vld.idx.msk [tilespmem:v45+s13+$0x0], $0xffff  }
0xd6: {  	v43 =	vor.u32 v3, v32;
	v45 =	vshll.u32 v52, $0x7;
	[tilespmem:v50+s17+$0x0] =	vst.idx.msk $0xffff, v48;
	v50 =	vor.u32 v3, v27  }
0xd7: {  	v56 =	vadd.s32 v4, v36;
	v37 =	vor.u32 v4, v35;
	v41 =	vld.idx.msk [tilespmem:v46+s13+$0x0], $0xffff;
	[tilespmem:v53+s17+$0x0] =	vst.idx.msk $0xffff, v42  }
.Ltmp4:
0xd8: {  	v38 =	vor.u32 v7, v34;
	v53 =	vor.u32 v5, v45;
	[tilespmem:v29+s17+$0x0] =	vst.idx.msk $0xffff, v51;
	v40 =	vld.idx.msk [tilespmem:v44+s13+$0x0], $0xffff;
	(pc) =	sbr.rel @p0 .LBB2_7-.Ltmp4, $4  }
0xd9: {  	v34 =	vmovc v32;
	s29 =	sand.u32 $0x3F, s28;
	v32 =	vmovc v45;
	v44 =	vor.u32 v7, v33;
	v33 =	vmov v27;
	v27 =	vmov v54;
	v39 =	vld.idx.msk [tilespmem:v31+s13+$0x0], $0xffff  }
0xda: {  	s29 =	sadd.s32 $0x1, s29;
	v45 =	vadd.s32 v2, v28;
	v29 =	vmovc v30;
	v31 =	vor.u32 v6, v35;
	v35 =	vmov v52;
	v47 =	vld.idx.msk [tilespmem:v47+s13+$0x0], $0xffff  }
0xdb: {  	s30 =	sshrl.u32 s28, $0x2;
	s31 =	sshrl.u32 s29, $0x2;
	s29 =	sand.u32 $0x7C, s29;
	v46 =	vor.u32 v2, v35;
	v48 =	vld.idx.msk [tilespmem:v49+s13+$0x0], $0xffff;
	v49 =	vor.u32 v0, v27;
	[tilespmem:v50+s17+$0x0] =	vst.idx.msk $0xffff, v55  }
0xdc: {  	s29 =	ssub.s32 s28, s29;
	v51 =	vmov s30;
	v30 =	vmovc v53;
	v52 =	vmov s31;
	v50 =	vor.u32 v0, v32;
	v42 =	vld.idx.msk [tilespmem:v56+s13+$0x0], $0xffff  }
0xdd: {  	v52 =	vshll.u32 v52, $0x2  }
0xde: {  	v51 =	vshll.u32 v51, $0x2;
	v52 =	vadd.s32 v0, v52  }
0xdf: {  	s26 =	sadd.s32 $0x1, s29;
	v51 =	vadd.s32 v0, v51;
	v52 =	vand.u32 $0x3C, v52  }
0xe0: {  	s28 =	sand.u32 $0x42, s28;
	v51 =	vand.u32 $0x3C, v51;
	v52 =	vadd.s32 s26, v52  }
0xe1: {  	v51 =	vor.u32 s28, v51;
	v53 =	vadd.s32 v1, v52  }
0xe2: {  	v54 =	vor.u32 v1, v51;
	_ =	sdelay $0x2  }
0xe3: {  	v55 =	vshll.u32 v52, $0x7  }
0xe4: {  	v56 =	vshll.u32 v51, $0x7;
	v57 =	vor.u32 v0, v55;
	v53 =	vld.idx.msk [tilespmem:v53+s13+$0x0], $0xffff  }
0xe5: {  	v58 =	vadd.s32 v2, v52;
	v59 =	vor.u32 v0, v56;
	v54 =	vld.idx.msk [tilespmem:v54+s13+$0x0], $0xffff  }
0xe6: {  	[tilespmem:v43+s17+$0x0] =	vst.idx.msk $0xffff, v41;
	v63 =	vor.u32 v2, v51  }
0xe7: {  	[tilespmem:v49+s17+$0x0] =	vst.idx.msk $0xffff, v47  }
0xe8: {  	[tilespmem:v50+s17+$0x0] =	vst.idx.msk $0xffff, v48;
	v43 =	vld.idx.msk [tilespmem:v45+s13+$0x0], $0xffff;
	v45 =	vor.u32 v3, v27  }
0xe9: {  	v47 =	vor.u32 v3, v32;
	v48 =	vadd.s32 v4, v28;
	v46 =	vld.idx.msk [tilespmem:v46+s13+$0x0], $0xffff;
	[tilespmem:v57+s17+$0x0] =	vst.idx.msk $0xffff, v53  }
0xea: {  	v61 =	vor.u32 v3, v55;
	[tilespmem:v59+s17+$0x0] =	vst.idx.msk $0xffff, v54;
	v59 =	vor.u32 v4, v35;
	v60 =	vld.idx.msk [tilespmem:v58+s13+$0x0], $0xffff  }
0xeb: {  	[tilespmem:v44+s17+$0x0] =	vst.idx.msk $0xffff, v40;
	v62 =	vor.u32 v3, v56;
	v41 =	vld.idx.msk [tilespmem:v63+s13+$0x0], $0xffff;
	v63 =	vadd.s32 v4, v52  }
0xec: {  	[tilespmem:v38+s17+$0x0] =	vst.idx.msk $0xffff, v39;
	v54 =	vor.u32 v5, v33;
	v57 =	vor.u32 v4, v51  }
0xed: {  	v36 =	vadd.s32 v6, v36;
	v37 =	vld.idx.msk [tilespmem:v37+s13+$0x0], $0xffff;
	[tilespmem:v45+s17+$0x0] =	vst.idx.msk $0xffff, v43  }
0xee: {  	[tilespmem:v47+s17+$0x0] =	vst.idx.msk $0xffff, v46;
	v43 =	vld.idx.msk [tilespmem:v48+s13+$0x0], $0xffff;
	v58 =	vor.u32 v5, v27  }
0xef: {  	v28 =	vadd.s32 v6, v28;
	v46 =	vld.idx.msk [tilespmem:v59+s13+$0x0], $0xffff;
	[tilespmem:v61+s17+$0x0] =	vst.idx.msk $0xffff, v60  }
0xf0: {  	v59 =	vor.u32 v6, v35;
	[tilespmem:v62+s17+$0x0] =	vst.idx.msk $0xffff, v41;
	v60 =	vor.u32 v5, v55;
	v44 =	vld.idx.msk [tilespmem:v63+s13+$0x0], $0xffff  }
0xf1: {  	[tilespmem:v54+s17+$0x0] =	vst.idx.msk $0xffff, v42;
	v61 =	vor.u32 v5, v56;
	v62 =	vadd.s32 v6, v52;
	v39 =	vld.idx.msk [tilespmem:v57+s13+$0x0], $0xffff  }
0xf2: {  	[tilespmem:v29+s17+$0x0] =	vst.idx.msk $0xffff, v37;
	v42 =	vor.u32 v6, v51;
	v29 =	vld.idx.msk [tilespmem:v36+s13+$0x0], $0xffff;
	v63 =	vor.u32 v7, v33  }
0xf3: {  	v34 =	vor.u32 v7, v34;
	v31 =	vld.idx.msk [tilespmem:v31+s13+$0x0], $0xffff;
	[tilespmem:v58+s17+$0x0] =	vst.idx.msk $0xffff, v43  }
0xf4: {  	v27 =	vor.u32 v7, v27;
	v28 =	vld.idx.msk [tilespmem:v28+s13+$0x0], $0xffff;
	[tilespmem:v30+s17+$0x0] =	vst.idx.msk $0xffff, v46  }
0xf5: {  	v30 =	vor.u32 v7, v32;
	v46 =	vld.idx.msk [tilespmem:v59+s13+$0x0], $0xffff;
	[tilespmem:v60+s17+$0x0] =	vst.idx.msk $0xffff, v44  }
0xf6: {  	v48 =	vor.u32 v7, v55;
	[tilespmem:v61+s17+$0x0] =	vst.idx.msk $0xffff, v39;
	v47 =	vld.idx.msk [tilespmem:v62+s13+$0x0], $0xffff  }
0xf7: {  	[tilespmem:v63+s17+$0x0] =	vst.idx.msk $0xffff, v29;
	v29 =	vor.u32 v7, v56;
	v49 =	vld.idx.msk [tilespmem:v42+s13+$0x0], $0xffff  }
0xf8: {  	[tilespmem:v34+s17+$0x0] =	vst.idx.msk $0xffff, v31;
	v31 =	vadd.s32 v8, v23  }
0xf9: {  	[tilespmem:v27+s17+$0x0] =	vst.idx.msk $0xffff, v28  }
0xfa: {  	v27 =	vor.u32 v8, v24;
	[tilespmem:v30+s17+$0x0] =	vst.idx.msk $0xffff, v46  }
0xfb: {  	[tilespmem:v48+s17+$0x0] =	vst.idx.msk $0xffff, v47  }
0xfc: {  	[tilespmem:v29+s17+$0x0] =	vst.idx.msk $0xffff, v49  }
0xfd: {  	v29 =	vor.u32 v9, v21;
	v28 =	vld.idx.msk [tilespmem:v31+s13+$0x0], $0xffff;
	_ =	sdelay $0x1  }
0xfe: {  	v30 =	vadd.s32 v10, v23;
	v27 =	vld.idx.msk [tilespmem:v27+s13+$0x0], $0xffff;
	v31 =	vor.u32 v9, v22  }
0xff: {  	v50 =	vor.u32 v10, v24;
	_ =	sdelay $0x1  }
0x100: {  	[tilespmem:v29+s17+$0x0] =	vst.idx.msk $0xffff, v28;
	v28 =	vadd.s32 v8, v17;
	_ =	sdelay $0x1  }
0x101: {  	v29 =	vor.u32 v8, v25;
	[tilespmem:v31+s17+$0x0] =	vst.idx.msk $0xffff, v27;
	v27 =	vor.u32 v11, v21;
	v30 =	vld.idx.msk [tilespmem:v30+s13+$0x0], $0xffff  }
0x102: {  	v51 =	vadd.s32 v12, v23;
	v31 =	vor.u32 v11, v22;
	v32 =	vld.idx.msk [tilespmem:v50+s13+$0x0], $0xffff  }
0x103: {  	v52 =	vor.u32 v12, v24  }
0x104: {  	v53 =	vor.u32 v9, v16;
	v28 =	vld.idx.msk [tilespmem:v28+s13+$0x0], $0xffff  }
0x105: {  	v54 =	vadd.s32 v10, v17;
	v58 =	vor.u32 v14, v24;
	v24 =	vadd.s32 s25, v26  }
0x106: {  	v59 =	vadd.s32 v8, v24;
	v29 =	vld.idx.msk [tilespmem:v29+s13+$0x0], $0xffff;
	[tilespmem:v27+s17+$0x0] =	vst.idx.msk $0xffff, v30;
	v27 =	vor.u32 v9, v18  }
0x107: {  	v55 =	vor.u32 v13, v21;
	v30 =	vor.u32 v10, v25;
	[tilespmem:v31+s17+$0x0] =	vst.idx.msk $0xffff, v32;
	v33 =	vld.idx.msk [tilespmem:v51+s13+$0x0], $0xffff  }
0x108: {  	v57 =	vadd.s32 v14, v23;
	v56 =	vor.u32 v13, v22;
	v34 =	vld.idx.msk [tilespmem:v52+s13+$0x0], $0xffff  }
0x109: {  	[tilespmem:v53+s17+$0x0] =	vst.idx.msk $0xffff, v28  }
0x10a: {  	v60 =	vor.u32 v8, v20;
	v62 =	vor.u32 v11, v16;
	v61 =	vld.idx.msk [tilespmem:v54+s13+$0x0], $0xffff  }
0x10b: {  	v63 =	vadd.s32 v12, v17;
	v36 =	vld.idx.msk [tilespmem:v59+s13+$0x0], $0xffff;
	[tilespmem:v27+s17+$0x0] =	vst.idx.msk $0xffff, v29  }
0x10c: {  	s29 =	sand.u32 $0x3F, s24;
	s26 =	simm.s32 $0x1;
	v35 =	vor.u32 v10, v20;
	v32 =	vor.u32 v11, v18;
	v31 =	vld.idx.msk [tilespmem:v30+s13+$0x0], $0xffff;
	[tilespmem:v55+s17+$0x0] =	vst.idx.msk $0xffff, v33  }
0x10d: {  	v40 =	vmov s26;
	s25 =	sadd.s32 $0x1, s29;
	v28 =	vor.u32 v12, v25;
	[tilespmem:v56+s17+$0x0] =	vst.idx.msk $0xffff, v34;
	v33 =	vor.u32 v15, v21;
	v30 =	vld.idx.msk [tilespmem:v57+s13+$0x0], $0xffff  }
0x10e: {  	v26 =	vor.u32 v13, v18;
	s30 =	sshrl.u32 s25, $0x2;
	v23 =	vshll.u32 v24, $0x7;
	v22 =	vor.u32 v15, v22;
	v29 =	vld.idx.msk [tilespmem:v58+s13+$0x0], $0xffff  }
0x10f: {  	v39 =	vor.u32 v9, v19;
	s31 =	sand.u32 $0x7C, s25;
	v41 =	vmov s30;
	v38 =	vor.u32 v9, v23;
	v37 =	vld.idx.msk [tilespmem:v60+s13+$0x0], $0xffff;
	[tilespmem:v62+s17+$0x0] =	vst.idx.msk $0xffff, v61  }
0x110: {  	s25 =	simm.s32 $0x8;
	s26 =	ssub.s32 $0x6, s31;
	v27 =	vor.u32 v13, v19;
	v34 =	vadd.s32 v10, v24;
	v21 =	vor.u32 v14, v25;
	v25 =	vld.idx.msk [tilespmem:v63+s13+$0x0], $0xffff  }
.LBB2_9:
0x111: {  	p0 =	slt.u32 s25, $0x7E;
	v40 =	vshll.u32 v40, $0x2;
	v41 =	vshll.u32 v41, $0x2;
	[tilespmem:v32+s17+$0x0] =	vst.idx.msk $0xffff, v31;
	v42 =	vor.u32 v13, v16;
	s28 =	smov.u32 s25;
	s25 =	sadd.s32 $0x2, s25  }
0x112: {  	v31 =	vadd.s32 v0, v40;
	v32 =	vadd.s32 v0, v41;
	v40 =	vld.idx.msk [tilespmem:v28+s13+$0x0], $0xffff;
	[tilespmem:v33+s17+$0x0] =	vst.idx.msk $0xffff, v30  }
0x113: {  	s29 =	sand.u32 $0x42, s24;
	s26 =	sadd.s32 $0x1, s26;
	v33 =	vadd.s32 v14, v17;
	v17 =	vmovc v24;
	s24 =	smov.u32 s28;
	v28 =	vand.u32 $0x3C, v31;
	v30 =	vand.u32 $0x3C, v32;
	[tilespmem:v22+s17+$0x0] =	vst.idx.msk $0xffff, v29  }
0x114: {  	v41 =	vor.u32 s29, v28;
	v24 =	vadd.s32 s26, v30;
	[tilespmem:v38+s17+$0x0] =	vst.idx.msk $0xffff, v36  }
0x115: {  	v38 =	vor.u32 v8, v41;
	v36 =	vadd.s32 v8, v24;
	v43 =	vshll.u32 v24, $0x7;
	v44 =	vld.idx.msk [tilespmem:v34+s13+$0x0], $0xffff  }
0x116: {  	v32 =	vor.u32 v11, v19;
	v34 =	vshll.u32 v41, $0x7;
	[tilespmem:v39+s17+$0x0] =	vst.idx.msk $0xffff, v37;
	v39 =	vor.u32 v11, v23  }
0x117: {  	v45 =	vadd.s32 v12, v17;
	v28 =	vor.u32 v12, v20;
	v31 =	vld.idx.msk [tilespmem:v35+s13+$0x0], $0xffff;
	[tilespmem:v42+s17+$0x0] =	vst.idx.msk $0xffff, v25  }
.Ltmp5:
0x118: {  	v22 =	vor.u32 v15, v18;
	v42 =	vor.u32 v13, v34;
	[tilespmem:v26+s17+$0x0] =	vst.idx.msk $0xffff, v40;
	v30 =	vld.idx.msk [tilespmem:v33+s13+$0x0], $0xffff;
	(pc) =	sbr.rel @p0 .LBB2_9-.Ltmp5, $4  }
0x119: {  	v18 =	vmovc v19;
	s26 =	sand.u32 $0x3F, s24;
	v19 =	vmovc v34;
	v33 =	vor.u32 v15, v16;
	v16 =	vmov v23;
	v23 =	vmov v43;
	v29 =	vld.idx.msk [tilespmem:v21+s13+$0x0], $0xffff  }
0x11a: {  	s26 =	sadd.s32 $0x1, s26;
	v34 =	vadd.s32 v10, v24;
	v26 =	vmovc v27;
	v21 =	vor.u32 v14, v20;
	v20 =	vmov v41;
	v36 =	vld.idx.msk [tilespmem:v36+s13+$0x0], $0xffff  }
0x11b: {  	s28 =	sshrl.u32 s24, $0x2;
	s29 =	sshrl.u32 s26, $0x2;
	s26 =	sand.u32 $0x7C, s26;
	v35 =	vor.u32 v10, v20;
	v37 =	vld.idx.msk [tilespmem:v38+s13+$0x0], $0xffff;
	v38 =	vor.u32 v9, v23;
	[tilespmem:v39+s17+$0x0] =	vst.idx.msk $0xffff, v44  }
0x11c: {  	s26 =	ssub.s32 s24, s26;
	v40 =	vmov s28;
	v27 =	vmovc v42;
	v41 =	vmov s29;
	v39 =	vor.u32 v9, v19;
	v25 =	vld.idx.msk [tilespmem:v45+s13+$0x0], $0xffff  }
0x11d: {  	v41 =	vshll.u32 v41, $0x2  }
0x11e: {  	v40 =	vshll.u32 v40, $0x2;
	v41 =	vadd.s32 v0, v41  }
0x11f: {  	s25 =	sadd.s32 $0x1, s26;
	v40 =	vadd.s32 v0, v40;
	v41 =	vand.u32 $0x3C, v41  }
0x120: {  	s24 =	sand.u32 $0x42, s24;
	v40 =	vand.u32 $0x3C, v40;
	v41 =	vadd.s32 s25, v41  }
0x121: {  	v40 =	vor.u32 s24, v40;
	v42 =	vadd.s32 v8, v41  }
0x122: {  	v43 =	vor.u32 v8, v40;
	_ =	sdelay $0x2  }
0x123: {  	v44 =	vshll.u32 v41, $0x7  }
0x124: {  	v45 =	vshll.u32 v40, $0x7;
	v46 =	vor.u32 v9, v44;
	v42 =	vld.idx.msk [tilespmem:v42+s13+$0x0], $0xffff  }
0x125: {  	v47 =	vadd.s32 v10, v41;
	v48 =	vor.u32 v9, v45;
	v43 =	vld.idx.msk [tilespmem:v43+s13+$0x0], $0xffff  }
0x126: {  	[tilespmem:v32+s17+$0x0] =	vst.idx.msk $0xffff, v31;
	v58 =	vor.u32 v10, v40  }
0x127: {  	[tilespmem:v38+s17+$0x0] =	vst.idx.msk $0xffff, v36  }
0x128: {  	v60 =	vor.u32 v11, v23;
	[tilespmem:v39+s17+$0x0] =	vst.idx.msk $0xffff, v37;
	v59 =	vld.idx.msk [tilespmem:v34+s13+$0x0], $0xffff  }
0x129: {  	v61 =	vor.u32 v11, v19;
	v62 =	vadd.s32 v12, v24;
	v35 =	vld.idx.msk [tilespmem:v35+s13+$0x0], $0xffff;
	[tilespmem:v46+s17+$0x0] =	vst.idx.msk $0xffff, v42  }
0x12a: {  	v63 =	vor.u32 v12, v20;
	[tilespmem:v48+s17+$0x0] =	vst.idx.msk $0xffff, v43;
	v46 =	vld.idx.msk [tilespmem:v47+s13+$0x0], $0xffff;
	v47 =	vor.u32 v11, v44  }
0x12b: {  	[tilespmem:v33+s17+$0x0] =	vst.idx.msk $0xffff, v30;
	v49 =	vadd.s32 v12, v41;
	v48 =	vor.u32 v11, v45;
	v31 =	vld.idx.msk [tilespmem:v58+s13+$0x0], $0xffff  }
0x12c: {  	v50 =	vor.u32 v13, v16;
	[tilespmem:v22+s17+$0x0] =	vst.idx.msk $0xffff, v29;
	v51 =	vor.u32 v12, v40  }
0x12d: {  	v17 =	vadd.s32 v14, v17;
	v28 =	vld.idx.msk [tilespmem:v28+s13+$0x0], $0xffff;
	[tilespmem:v60+s17+$0x0] =	vst.idx.msk $0xffff, v59  }
0x12e: {  	v52 =	vor.u32 v13, v23;
	[tilespmem:v61+s17+$0x0] =	vst.idx.msk $0xffff, v35;
	v32 =	vld.idx.msk [tilespmem:v62+s13+$0x0], $0xffff  }
0x12f: {  	v53 =	vadd.s32 v14, v24;
	v35 =	vld.idx.msk [tilespmem:v63+s13+$0x0], $0xffff;
	[tilespmem:v47+s17+$0x0] =	vst.idx.msk $0xffff, v46  }
0x130: {  	v54 =	vor.u32 v14, v20;
	v55 =	vor.u32 v13, v44;
	[tilespmem:v48+s17+$0x0] =	vst.idx.msk $0xffff, v31;
	v33 =	vld.idx.msk [tilespmem:v49+s13+$0x0], $0xffff  }
0x131: {  	[tilespmem:v50+s17+$0x0] =	vst.idx.msk $0xffff, v25;
	v56 =	vor.u32 v13, v45;
	v58 =	vadd.s32 v14, v41;
	v57 =	vld.idx.msk [tilespmem:v51+s13+$0x0], $0xffff  }
0x132: {  	v16 =	vor.u32 v15, v16;
	[tilespmem:v26+s17+$0x0] =	vst.idx.msk $0xffff, v28;
	v17 =	vld.idx.msk [tilespmem:v17+s13+$0x0], $0xffff;
	v59 =	vor.u32 v14, v40  }
0x133: {  	v18 =	vor.u32 v15, v18;
	v21 =	vld.idx.msk [tilespmem:v21+s13+$0x0], $0xffff;
	[tilespmem:v52+s17+$0x0] =	vst.idx.msk $0xffff, v32  }
0x134: {  	v60 =	vor.u32 v15, v23;
	[tilespmem:v27+s17+$0x0] =	vst.idx.msk $0xffff, v35;
	v24 =	vld.idx.msk [tilespmem:v53+s13+$0x0], $0xffff  }
0x135: {  	v61 =	vor.u32 v15, v19;
	v20 =	vld.idx.msk [tilespmem:v54+s13+$0x0], $0xffff;
	[tilespmem:v55+s17+$0x0] =	vst.idx.msk $0xffff, v33  }
0x136: {  	v63 =	vor.u32 v15, v44;
	[tilespmem:v56+s17+$0x0] =	vst.idx.msk $0xffff, v57;
	v62 =	vld.idx.msk [tilespmem:v58+s13+$0x0], $0xffff  }
0x137: {  	[tilespmem:v16+s17+$0x0] =	vst.idx.msk $0xffff, v17;
	v16 =	vor.u32 v15, v45;
	v17 =	vld.idx.msk [tilespmem:v59+s13+$0x0], $0xffff  }
0x138: {  	[tilespmem:v18+s17+$0x0] =	vst.idx.msk $0xffff, v21  }
.Ltmp6:
0x139: {  	[tilespmem:v60+s17+$0x0] =	vst.idx.msk $0xffff, v24;
	(pc) =	sbr.rel @p1 .LBB2_12-.Ltmp6, $4  }
0x13a: {  	[tilespmem:v61+s17+$0x0] =	vst.idx.msk $0xffff, v20  }
0x13b: {  	s23 =	sshll.u32 s23, $0x4;
	[tilespmem:v63+s17+$0x0] =	vst.idx.msk $0xffff, v62  }
0x13c: {  	s23 =	sadd.s32 s1, s23;
	[tilespmem:v16+s17+$0x0] =	vst.idx.msk $0xffff, v17  }
0x13d: {  	[hbm4b:s23+s3] =	stream.linear.scatter [tilespmem:s17], [sflag:$0x4], $0x4000, $0x38;
	[tilespmem:$0x10000] =	vst v63  }
.Ltmp7:
0x13e: {  	(pc) =	sbr.rel .LBB2_2-.Ltmp7, $3  }
0x13f: {  	_ =	sdelay $0x1  }
0x140: {  	s22 =	sadd.s32 s22, s9;
	s21 =	sadd.s32 $0x1, s21  }
0x141: {  	[tilespmem:s13], [sflag:$0x2] =	stream.strided.gather [hbm4b:s22+s11], $0x4000, s12, s11, $0x38;
	[tilespmem:$0x10000] =	vst v63  }
.LBB2_13:
0x142: {  	_ =	sfence.sel $0x180000  }
0x143: {  	[bflag:$0x0] =	sbarrier.arrive $0xFFFF  }
0x144: {  	p0 =	sne.s32 s2, $0x0;
	_ =	strace $0x90000047  }
0x145: {  	s0 =	sadd.s32 @!p0 $0x100000, s0;
	[bflag:$0x2] =	sbarrier.arrive $0xFFFF  }
0x146: {  	[sflag:s0] =	ssyncadd.tile.s32 @!p0 $0x1;
	_ =	shalt  }
.Lfunc_end2:
_tile_overlayer_lowered:
.L_overlay_start_2:
0x147: {  	(tag) =	ssettag $0x2  }
0x148: {  	s0 =	rddreg [dreg:$0x0];
	s2 =	stileid.u32  }
0x149: {  	s1 =	rddreg [dreg:$0x1];
	p0 =	sne.s32 s2, $0x0  }
0x14a: {  	s3 =	rddreg [dreg:$0x2];
	[bflag:$0x3] =	sbarrier.arrive $0xFFFF;
	s2 =	simm.s32 @!p0 $0x1C05  }
0x14b: {  	[timem:s3], [sflag:s2] =	dma.local @!p0 [hbm:s0], s1  }
0x14c: {  	s0 =	simm.s32 @!p0 $0x5  }
0x14d: {  	_ =	swait.ge @!p0 [sflag:s0], s1  }
0x14e: {  	s1 =	ssub.s32 @!p0 $0x0, s1;
	[sflag:s0] =	ssyncset.done @!p0 $0x0  }
0x14f: {  	[sflag:s0] =	ssyncadd.s32 @!p0 s1  }
0x150: {  	[bflag:$0x3] =	sbarrier.arrive $0xFFFF  }
0x151: {  	_ =	shalt  }

</sc_bundles>
